<compile_context>
chip_gen: v7x
topology: tpu7x:2x2x1
jax: 0.10.2.dev20260603
libtpu: 0.0.44.dev20260713+nightly
codegen_flags: <defaults>
</compile_context>

<pallas_src>
import functools

import numpy as np

import jax
import jax.numpy as jnp
from jax import lax
from jax.experimental import pallas as pl
from jax.experimental.pallas import tpu as pltpu
from jax.experimental.pallas import tpu_sc as plsc

N_NODES = 10000
N_PAD = 10240
E = 320000
D = 128
NC, NS = 2, 16
NW = NC * NS
EPW = E // NW
CH = 112
KG = 5
NCH = 90
NG = NCH // KG
EPW_PAD = NCH * CH
ROWS_PT = N_PAD // NS
BR = 2000


def _sc_aggregate(edge3, fi32, zeros2d, zeros1d, ones1):
    mesh = plsc.VectorSubcoreMesh(core_axis_name="c", subcore_axis_name="s")

    @functools.partial(
        pl.kernel,
        mesh=mesh,
        compiler_params=pltpu.CompilerParams(use_tc_tiling_on_sc=False),
        out_type=[
            jax.ShapeDtypeStruct((NC, N_PAD, D), jnp.float32),
            jax.ShapeDtypeStruct((NC, N_PAD), jnp.float32),
        ],
        scratch_types=[
            pltpu.VMEM((2, KG, 2, CH), jnp.int32),
            pltpu.VMEM((2, CH, D // 2), jnp.int32),
            pltpu.VMEM((2, CH, D), jnp.float32),
            pltpu.VMEM((CH,), jnp.float32),
            pltpu.VMEM_SHARED((N_PAD, D), jnp.float32),
            pltpu.VMEM_SHARED((N_PAD,), jnp.float32),
            pltpu.SemaphoreType.DMA((2,)),
            pltpu.SemaphoreType.DMA((2,)),
            pltpu.SemaphoreType.DMA((2,)),
            pltpu.SemaphoreType.DMA,
        ],
    )
    def k(edge_hbm, fbf_hbm, z2_hbm, z1_hbm, ones_hbm,
          agg_out, deg_out, idx_v, rowsb_v, rows_v, ones_v, agg_sh, deg_sh,
          isem, gsem, ssem, osem):
        c = lax.axis_index("c")
        s = lax.axis_index("s")
        w = c * NS + s
        pltpu.sync_copy(ones_hbm, ones_v)
        base = s * ROWS_PT
        pltpu.sync_copy(z2_hbm, agg_sh.at[pl.ds(base, ROWS_PT)])
        pltpu.sync_copy(z1_hbm, deg_sh.at[pl.ds(base, ROWS_PT)])
        plsc.subcore_barrier()

        pltpu.async_copy(edge_hbm.at[w, pl.ds(0, KG)], idx_v.at[0],
                         isem.at[0])

        def group(g, carry):
            gi = lax.rem(g, 2)
            pltpu.make_async_copy(edge_hbm.at[0, pl.ds(0, KG)],
                                  idx_v.at[gi], isem.at[gi]).wait()

            @pl.when(g < NG - 1)
            def _prefetch():
                pltpu.async_copy(edge_hbm.at[w, pl.ds((g + 1) * KG, KG)],
                                 idx_v.at[1 - gi], isem.at[1 - gi])

            def gather(i):
                return pltpu.async_copy(
                    fbf_hbm.at[idx_v.at[gi, i, 0]], rowsb_v.at[i % 2],
                    gsem.at[i % 2])

            def convert(b):
                c16 = jnp.full((16,), 16, jnp.int32)
                cmask = jnp.full((16,), -65536, jnp.int32)

                def row(r, carry):
                    for v in range(D // 32):
                        x = rowsb_v[b, r, pl.ds(v * 16, 16)]
                        lo = lax.bitcast_convert_type(
                            lax.shift_left(x, c16), jnp.float32)
                        hi = lax.bitcast_convert_type(
                            lax.bitwise_and(x, cmask), jnp.float32)
                        rows_v[b, r, pl.ds(v * 32, 16)] = lo
                        rows_v[b, r, pl.ds(v * 32 + 16, 16)] = hi
                    return carry

                lax.fori_loop(0, CH, row, 0)

            gh = [None] * KG
            sh = [None] * KG
            oh = [None] * KG
            gh[0] = gather(0)
            for i in range(KG):
                b = i % 2
                if i + 1 < KG:
                    gh[i + 1] = gather(i + 1)
                gh[i].wait()
                if i >= 2:
                    sh[i - 2].wait()
                convert(b)
                sh[i] = pltpu.async_copy(
                    rows_v.at[b], agg_sh.at[idx_v.at[gi, i, 1]], ssem.at[b],
                    add=True)
                oh[i] = pltpu.async_copy(
                    ones_v, deg_sh.at[idx_v.at[gi, i, 1]], osem, add=True)
            sh[KG - 2].wait()
            sh[KG - 1].wait()
            for i in range(KG):
                oh[i].wait()
            return carry

        lax.fori_loop(0, NG, group, 0)
        plsc.subcore_barrier()
        pltpu.sync_copy(agg_sh.at[pl.ds(base, ROWS_PT)],
                        agg_out.at[c, pl.ds(base, ROWS_PT)])
        pltpu.sync_copy(deg_sh.at[pl.ds(base, ROWS_PT)],
                        deg_out.at[c, pl.ds(base, ROWS_PT)])

    return k(edge3, fi32, zeros2d, zeros1d, ones1)


def _tc_body(f_ref, a_ref, d_ref, w_ref, b_ref, o_ref):
    f = f_ref[...]
    agg = a_ref[0] + a_ref[1]
    deg = jnp.maximum(d_ref[0, 0] + d_ref[0, 1], 1.0)
    nf = agg / deg[:, None]
    w1 = w_ref[0:D, :]
    w2 = w_ref[D:2 * D, :]
    bb = b_ref[0, :]
    t2 = jnp.dot(nf, w2, preferred_element_type=jnp.float32) + bb[None, :]
    o1 = jnp.dot(f, w1, preferred_element_type=jnp.float32) + t2
    o2 = jnp.dot(o1, w1, preferred_element_type=jnp.float32) + t2
    o_ref[...] = jnp.maximum(o2, 0.0)


def _tc_combine(feature, agg2, degt, W, b2):
    return pl.pallas_call(
        _tc_body,
        grid=(N_NODES // BR,),
        in_specs=[
            pl.BlockSpec((BR, D), lambda i: (i, 0)),
            pl.BlockSpec((NC, BR, D), lambda i: (0, i, 0)),
            pl.BlockSpec((1, NC, BR), lambda i: (i, 0, 0)),
            pl.BlockSpec((2 * D, D), lambda i: (0, 0)),
            pl.BlockSpec((1, D), lambda i: (0, 0)),
        ],
        out_specs=pl.BlockSpec((BR, D), lambda i: (i, 0)),
        out_shape=jax.ShapeDtypeStruct((N_NODES, D), jnp.float32),
    )(feature, agg2, degt, W, b2)


def kernel(feature, edge_index, W, b):
    src = edge_index[0].astype(jnp.int32)
    dst = edge_index[1].astype(jnp.int32)
    pad = EPW_PAD - EPW
    src3 = jnp.concatenate(
        [src.reshape(NW, EPW), jnp.zeros((NW, pad), jnp.int32)], axis=1
    ).reshape(NW, NCH, CH)
    dst3 = jnp.concatenate(
        [dst.reshape(NW, EPW), jnp.full((NW, pad), N_NODES, jnp.int32)], axis=1
    ).reshape(NW, NCH, CH)
    edge3 = jnp.stack([src3, dst3], axis=2)
    zeros2d = jnp.zeros((ROWS_PT, D), jnp.float32)
    zeros1d = jnp.zeros((ROWS_PT,), jnp.float32)
    ones1 = jnp.ones((CH,), jnp.float32)
    fi32 = jax.lax.bitcast_convert_type(
        feature.astype(jnp.bfloat16).reshape(N_NODES, D // 2, 2), jnp.int32)
    agg2, deg2 = _sc_aggregate(edge3, fi32, zeros2d, zeros1d, ones1)
    perm = np.concatenate(
        [np.concatenate([np.arange(v * 32, v * 32 + 32, 2),
                         np.arange(v * 32 + 1, v * 32 + 32, 2)])
         for v in range(D // 32)])
    W_eff = jnp.concatenate([W[:D], W[D:][perm]], axis=0)
    degt = deg2[:, :N_NODES].reshape(NC, N_NODES // BR, BR).transpose(1, 0, 2)
    return _tc_combine(feature, agg2, degt, W_eff, b.reshape(1, D))

# --- scband reference (transcript-rebuilt; emitter-appended) ---
"""Pipeline reference for scband-graph-sagelayer-16518444220921 (READ-ONLY COPY).

The authoritative reference and input builder live on the scoring server;
editing this copy changes nothing except your own understanding.
"""

import jax, jax.numpy as jnp
import numpy as np

N_NODES = 10000
N_EDGES = 320000
D_FEAT = 128
NUM_SAMPLES = 2


def setup_inputs(seed: int = 0) -> dict:
    key = jax.random.key(seed)
    k1, k2, k3 = jax.random.split(key, 3)
    feature = jax.random.normal(k1, (N_NODES, D_FEAT), dtype=jnp.float32)
    edge_index = jax.random.randint(k2, (2, N_EDGES), 0, N_NODES, dtype=jnp.int64)
    # Linear(in_features=2*D_FEAT, out_features=D_FEAT)
    W = jax.random.normal(k3, (2 * D_FEAT, D_FEAT), dtype=jnp.float32) * (1.0 / np.sqrt(2 * D_FEAT))
    b = jnp.zeros((D_FEAT,), dtype=jnp.float32)
    return {"feature": feature, "edge_index": edge_index, "W": W, "b": b}


def _neighbor_mean(feature, src, dst, num_nodes):
    # gather source-node features along edges, scatter-add into dst, normalize by degree
    msgs = jnp.take(feature, src, axis=0)                      # [E, d] gather
    agg = jax.ops.segment_sum(msgs, dst, num_segments=num_nodes)  # [N, d] scatter-add
    deg = jax.ops.segment_sum(jnp.ones((src.shape[0],), dtype=feature.dtype), dst, num_segments=num_nodes)
    deg = jnp.clip(deg, 1.0, None)
    return agg / deg[:, None]


def reference(feature, edge_index, W, b):
    src = edge_index[0]
    dst = edge_index[1]
    out = feature
    for _ in range(NUM_SAMPLES):
        # dgl.sampling.sample_neighbors(...).ndata['h'] -> aggregated neighbor features
        # (recomputed from the original node features 'h' each iteration, as in the source)
        neighbor_features = _neighbor_mean(feature, src, dst, N_NODES)
        out = jnp.concatenate((out, neighbor_features), axis=1) @ W + b
    return jax.nn.relu(out)

if __name__ == "__main__":
    import jax
    _d = setup_inputs()
    print(jax.jit(kernel)(*tuple(_d.values())))

</pallas_src>

<mosaic_0001>
#map = affine_map<(d0, d1) -> (0, 0, 0, 0)>
#map1 = affine_map<(d0, d1) -> (0, 0)>
#map2 = affine_map<(d0, d1) -> (0)>
#map3 = affine_map<(d0, d1) -> (0, 0, 0)>
module attributes {stable_mosaic.version = 14 : i64} {
  func.func @k(%arg0: i32, %arg1: i32, %arg2: memref<32x90x2x112xi32, #tpu.memory_space<hbm>>, %arg3: memref<10000x64xi32, #tpu.memory_space<hbm>>, %arg4: memref<640x128xf32, #tpu.memory_space<hbm>>, %arg5: memref<640xf32, #tpu.memory_space<hbm>>, %arg6: memref<112xf32, #tpu.memory_space<hbm>>, %arg7: memref<2x10240x128xf32, #tpu.memory_space<hbm>>, %arg8: memref<2x10240xf32, #tpu.memory_space<hbm>>, %arg9: memref<2x5x2x112xi32, #tpu.memory_space<vmem>>, %arg10: memref<2x112x64xi32, #tpu.memory_space<vmem>>, %arg11: memref<2x112x128xf32, #tpu.memory_space<vmem>>, %arg12: memref<112xf32, #tpu.memory_space<vmem>>, %arg13: memref<10240x128xf32, #tpu.memory_space<vmem_shared>>, %arg14: memref<10240xf32, #tpu.memory_space<vmem_shared>>, %arg15: memref<2x!tpu.dma_semaphore, #tpu.memory_space<semaphore_mem>>, %arg16: memref<2x!tpu.dma_semaphore, #tpu.memory_space<semaphore_mem>>, %arg17: memref<2x!tpu.dma_semaphore, #tpu.memory_space<semaphore_mem>>, %arg18: memref<!tpu.dma_semaphore, #tpu.memory_space<semaphore_mem>>) attributes {dimension_semantics = [#tpu.dimension_semantics<core_parallel>, #tpu.dimension_semantics<subcore_parallel>], iteration_bounds = array<i64: 2, 16>, scalar_prefetch = 0 : i64, scratch_operands = 10 : i64, tpu.core_type = #tpu.core_type<sc_vector_subcore>, window_params = [{transform_indices = #map}, {transform_indices = #map1}, {transform_indices = #map1}, {transform_indices = #map2}, {transform_indices = #map2}, {transform_indices = #map3}, {transform_indices = #map1}]} {
    %mul3A = arith.constant 16 : i32
    %mul3A_0 = arith.muli %arg0, %mul3A : i32
    %add3A = arith.addi %mul3A_0, %arg1 : i32
    "tpu.region"() ({
      %run_scoped3A = tpu.sem_alloc : memref<!tpu.dma_semaphore, #tpu.memory_space<semaphore_mem>>
      tpu.enqueue_dma source(%arg6 : memref<112xf32, #tpu.memory_space<hbm>>) target(%arg12 : memref<112xf32, #tpu.memory_space<vmem>>) target_semaphore(%run_scoped3A : memref<!tpu.dma_semaphore, #tpu.memory_space<semaphore_mem>>)
      tpu.wait_dma2 semaphore(%run_scoped3A : memref<!tpu.dma_semaphore, #tpu.memory_space<semaphore_mem>>) src(%arg6 : memref<112xf32, #tpu.memory_space<hbm>>) dst(%arg12 : memref<112xf32, #tpu.memory_space<vmem>>)
      tpu.yield
    }) : () -> ()
    %mul3A_1 = arith.constant 640 : i32
    %mul3A_2 = arith.muli %arg1, %mul3A_1 : i32
    "tpu.region"() ({
      %run_scoped3A = tpu.sem_alloc : memref<!tpu.dma_semaphore, #tpu.memory_space<semaphore_mem>>
      %dma_start3A_32 = arith.constant 0 : i32
      %dma_start3A_33 = tpu.memref_slice %arg13[%mul3A_2, %dma_start3A_32] : memref<10240x128xf32, #tpu.memory_space<vmem_shared>> -> memref<640x128xf32, #tpu.memory_space<vmem_shared>>
      tpu.enqueue_dma source(%arg4 : memref<640x128xf32, #tpu.memory_space<hbm>>) target(%dma_start3A_33 : memref<640x128xf32, #tpu.memory_space<vmem_shared>>) target_semaphore(%run_scoped3A : memref<!tpu.dma_semaphore, #tpu.memory_space<semaphore_mem>>)
      %dma_wait3A = arith.constant 0 : i32
      %dma_wait3A_34 = tpu.memref_slice %arg13[%mul3A_2, %dma_wait3A] : memref<10240x128xf32, #tpu.memory_space<vmem_shared>> -> memref<640x128xf32, #tpu.memory_space<vmem_shared>>
      tpu.wait_dma2 semaphore(%run_scoped3A : memref<!tpu.dma_semaphore, #tpu.memory_space<semaphore_mem>>) src(%arg4 : memref<640x128xf32, #tpu.memory_space<hbm>>) dst(%dma_wait3A_34 : memref<640x128xf32, #tpu.memory_space<vmem_shared>>)
      tpu.yield
    }) : () -> ()
    "tpu.region"() ({
      %run_scoped3A = tpu.sem_alloc : memref<!tpu.dma_semaphore, #tpu.memory_space<semaphore_mem>>
      %dma_start3A_32 = tpu.memref_slice %arg14[%mul3A_2] : memref<10240xf32, #tpu.memory_space<vmem_shared>> -> memref<640xf32, #tpu.memory_space<vmem_shared>>
      tpu.enqueue_dma source(%arg5 : memref<640xf32, #tpu.memory_space<hbm>>) target(%dma_start3A_32 : memref<640xf32, #tpu.memory_space<vmem_shared>>) target_semaphore(%run_scoped3A : memref<!tpu.dma_semaphore, #tpu.memory_space<semaphore_mem>>)
      %dma_wait3A = tpu.memref_slice %arg14[%mul3A_2] : memref<10240xf32, #tpu.memory_space<vmem_shared>> -> memref<640xf32, #tpu.memory_space<vmem_shared>>
      tpu.wait_dma2 semaphore(%run_scoped3A : memref<!tpu.dma_semaphore, #tpu.memory_space<semaphore_mem>>) src(%arg5 : memref<640xf32, #tpu.memory_space<hbm>>) dst(%dma_wait3A : memref<640xf32, #tpu.memory_space<vmem_shared>>)
      tpu.yield
    }) : () -> ()
    %barrier3A = arith.constant 0 : index
    tpu.barrier barrier_id(%barrier3A)
    %dma_start3A = arith.constant 0 : i32
    %dma_start3A_3 = arith.constant 0 : i32
    %dma_start3A_4 = arith.constant 0 : i32
    %dma_start3A_5 = arith.constant 0 : i32
    %dma_start3A_6 = arith.constant 0 : i32
    %dma_start3A_7 = tpu.memref_slice %arg9[%dma_start3A, %dma_start3A_4, %dma_start3A_5, %dma_start3A_6] : memref<2x5x2x112xi32, #tpu.memory_space<vmem>> -> memref<1x5x2x112xi32, #tpu.memory_space<vmem>>
    %dma_start3A_8 = tpu.memref_squeeze %dma_start3A_7 : memref<1x5x2x112xi32, #tpu.memory_space<vmem>> -> memref<5x2x112xi32, #tpu.memory_space<vmem>>
    %dma_start3A_9 = arith.constant 0 : i32
    %dma_start3A_10 = arith.constant 0 : i32
    %dma_start3A_11 = arith.constant 0 : i32
    %dma_start3A_12 = tpu.memref_slice %arg2[%add3A, %dma_start3A_9, %dma_start3A_10, %dma_start3A_11] : memref<32x90x2x112xi32, #tpu.memory_space<hbm>> -> memref<1x5x2x112xi32, #tpu.memory_space<hbm>>
    %dma_start3A_13 = tpu.memref_squeeze %dma_start3A_12 : memref<1x5x2x112xi32, #tpu.memory_space<hbm>> -> memref<5x2x112xi32, #tpu.memory_space<hbm>>
    %dma_start3A_14 = tpu.memref_slice %arg15[%dma_start3A_3] : memref<2x!tpu.dma_semaphore, #tpu.memory_space<semaphore_mem>> -> memref<1x!tpu.dma_semaphore, #tpu.memory_space<semaphore_mem>>
    %dma_start3A_15 = tpu.memref_squeeze %dma_start3A_14 : memref<1x!tpu.dma_semaphore, #tpu.memory_space<semaphore_mem>> -> memref<!tpu.dma_semaphore, #tpu.memory_space<semaphore_mem>>
    %dma_start3A_16 = arith.constant 0 : i32
    %dma_start3A_17 = arith.constant 0 : i32
    %dma_start3A_18 = arith.constant 0 : i32
    %dma_start3A_19 = tpu.memref_slice %arg9[%dma_start3A, %dma_start3A_16, %dma_start3A_17, %dma_start3A_18] : memref<2x5x2x112xi32, #tpu.memory_space<vmem>> -> memref<1x5x2x112xi32, #tpu.memory_space<vmem>>
    %dma_start3A_20 = tpu.memref_squeeze %dma_start3A_19 : memref<1x5x2x112xi32, #tpu.memory_space<vmem>> -> memref<5x2x112xi32, #tpu.memory_space<vmem>>
    %dma_start3A_21 = arith.constant 0 : i32
    %dma_start3A_22 = arith.constant 0 : i32
    %dma_start3A_23 = arith.constant 0 : i32
    %dma_start3A_24 = tpu.memref_slice %arg2[%add3A, %dma_start3A_21, %dma_start3A_22, %dma_start3A_23] : memref<32x90x2x112xi32, #tpu.memory_space<hbm>> -> memref<1x5x2x112xi32, #tpu.memory_space<hbm>>
    %dma_start3A_25 = tpu.memref_squeeze %dma_start3A_24 : memref<1x5x2x112xi32, #tpu.memory_space<hbm>> -> memref<5x2x112xi32, #tpu.memory_space<hbm>>
    tpu.enqueue_dma source(%dma_start3A_25 : memref<5x2x112xi32, #tpu.memory_space<hbm>>) target(%dma_start3A_20 : memref<5x2x112xi32, #tpu.memory_space<vmem>>) target_semaphore(%dma_start3A_15 : memref<!tpu.dma_semaphore, #tpu.memory_space<semaphore_mem>>)
    %scan3A = arith.constant 0 : i32
    %scan3A_26 = arith.constant 0 : i32
    %scan3A_27 = arith.constant 18 : i32
    %scan3A_28 = arith.addi %scan3A_26, %scan3A_27 : i32
    %scan3A_29 = arith.constant 1 : i32
    scf.for %scan3A_32 = %scan3A_26 to %scan3A_28 step %scan3A_29  : i32 {
      %rem3A = arith.constant 2 : i32
      %rem3A_33 = arith.remsi %scan3A_32, %rem3A : i32
      %dma_wait3A = arith.constant 0 : i32
      %dma_wait3A_34 = arith.constant 0 : i32
      %dma_wait3A_35 = arith.constant 0 : i32
      %dma_wait3A_36 = arith.constant 0 : i32
      %dma_wait3A_37 = tpu.memref_slice %arg9[%rem3A_33, %dma_wait3A_34, %dma_wait3A_35, %dma_wait3A_36] : memref<2x5x2x112xi32, #tpu.memory_space<vmem>> -> memref<1x5x2x112xi32, #tpu.memory_space<vmem>>
      %dma_wait3A_38 = tpu.memref_squeeze %dma_wait3A_37 : memref<1x5x2x112xi32, #tpu.memory_space<vmem>> -> memref<5x2x112xi32, #tpu.memory_space<vmem>>
      %dma_wait3A_39 = arith.constant 0 : i32
      %dma_wait3A_40 = arith.constant 0 : i32
      %dma_wait3A_41 = arith.constant 0 : i32
      %dma_wait3A_42 = tpu.memref_slice %arg2[%dma_wait3A, %dma_wait3A_39, %dma_wait3A_40, %dma_wait3A_41] : memref<32x90x2x112xi32, #tpu.memory_space<hbm>> -> memref<1x5x2x112xi32, #tpu.memory_space<hbm>>
      %dma_wait3A_43 = tpu.memref_squeeze %dma_wait3A_42 : memref<1x5x2x112xi32, #tpu.memory_space<hbm>> -> memref<5x2x112xi32, #tpu.memory_space<hbm>>
      %dma_wait3A_44 = tpu.memref_slice %arg15[%rem3A_33] : memref<2x!tpu.dma_semaphore, #tpu.memory_space<semaphore_mem>> -> memref<1x!tpu.dma_semaphore, #tpu.memory_space<semaphore_mem>>
      %dma_wait3A_45 = tpu.memref_squeeze %dma_wait3A_44 : memref<1x!tpu.dma_semaphore, #tpu.memory_space<semaphore_mem>> -> memref<!tpu.dma_semaphore, #tpu.memory_space<semaphore_mem>>
      %dma_wait3A_46 = arith.constant 0 : i32
      %dma_wait3A_47 = arith.constant 0 : i32
      %dma_wait3A_48 = arith.constant 0 : i32
      %dma_wait3A_49 = tpu.memref_slice %arg9[%rem3A_33, %dma_wait3A_46, %dma_wait3A_47, %dma_wait3A_48] : memref<2x5x2x112xi32, #tpu.memory_space<vmem>> -> memref<1x5x2x112xi32, #tpu.memory_space<vmem>>
      %dma_wait3A_50 = tpu.memref_squeeze %dma_wait3A_49 : memref<1x5x2x112xi32, #tpu.memory_space<vmem>> -> memref<5x2x112xi32, #tpu.memory_space<vmem>>
      %dma_wait3A_51 = arith.constant 0 : i32
      %dma_wait3A_52 = arith.constant 0 : i32
      %dma_wait3A_53 = arith.constant 0 : i32
      %dma_wait3A_54 = tpu.memref_slice %arg2[%dma_wait3A, %dma_wait3A_51, %dma_wait3A_52, %dma_wait3A_53] : memref<32x90x2x112xi32, #tpu.memory_space<hbm>> -> memref<1x5x2x112xi32, #tpu.memory_space<hbm>>
      %dma_wait3A_55 = tpu.memref_squeeze %dma_wait3A_54 : memref<1x5x2x112xi32, #tpu.memory_space<hbm>> -> memref<5x2x112xi32, #tpu.memory_space<hbm>>
      tpu.wait_dma2 semaphore(%dma_wait3A_45 : memref<!tpu.dma_semaphore, #tpu.memory_space<semaphore_mem>>) src(%dma_wait3A_55 : memref<5x2x112xi32, #tpu.memory_space<hbm>>) dst(%dma_wait3A_50 : memref<5x2x112xi32, #tpu.memory_space<vmem>>)
      %lt3A = arith.constant 17 : i32
      %lt3A_56 = arith.cmpi slt, %scan3A_32, %lt3A : i32
      %convert_element_type3A = arith.extui %lt3A_56 : i1 to i32
      %cond3A = arith.constant 0 : i32
      %cond3A_57 = arith.cmpi ne, %convert_element_type3A, %cond3A : i32
      scf.if %cond3A_57 {
        %add3A_497 = arith.constant 1 : i32
        %add3A_498 = arith.addi %scan3A_32, %add3A_497 : i32
        %mul3A_499 = arith.constant 5 : i32
        %mul3A_500 = arith.muli %add3A_498, %mul3A_499 : i32
        %sub3A = arith.constant 1 : i32
        %sub3A_501 = arith.subi %sub3A, %rem3A_33 : i32
        %sub3A_502 = arith.constant 1 : i32
        %sub3A_503 = arith.subi %sub3A_502, %rem3A_33 : i32
        %dma_start3A_504 = arith.constant 0 : i32
        %dma_start3A_505 = arith.constant 0 : i32
        %dma_start3A_506 = arith.constant 0 : i32
        %dma_start3A_507 = tpu.memref_slice %arg9[%sub3A_501, %dma_start3A_504, %dma_start3A_505, %dma_start3A_506] : memref<2x5x2x112xi32, #tpu.memory_space<vmem>> -> memref<1x5x2x112xi32, #tpu.memory_space<vmem>>
        %dma_start3A_508 = tpu.memref_squeeze %dma_start3A_507 : memref<1x5x2x112xi32, #tpu.memory_space<vmem>> -> memref<5x2x112xi32, #tpu.memory_space<vmem>>
        %dma_start3A_509 = arith.constant 0 : i32
        %dma_start3A_510 = arith.constant 0 : i32
        %dma_start3A_511 = tpu.memref_slice %arg2[%add3A, %mul3A_500, %dma_start3A_509, %dma_start3A_510] : memref<32x90x2x112xi32, #tpu.memory_space<hbm>> -> memref<1x5x2x112xi32, #tpu.memory_space<hbm>>
        %dma_start3A_512 = tpu.memref_squeeze %dma_start3A_511 : memref<1x5x2x112xi32, #tpu.memory_space<hbm>> -> memref<5x2x112xi32, #tpu.memory_space<hbm>>
        %dma_start3A_513 = tpu.memref_slice %arg15[%sub3A_503] : memref<2x!tpu.dma_semaphore, #tpu.memory_space<semaphore_mem>> -> memref<1x!tpu.dma_semaphore, #tpu.memory_space<semaphore_mem>>
        %dma_start3A_514 = tpu.memref_squeeze %dma_start3A_513 : memref<1x!tpu.dma_semaphore, #tpu.memory_space<semaphore_mem>> -> memref<!tpu.dma_semaphore, #tpu.memory_space<semaphore_mem>>
        %dma_start3A_515 = arith.constant 0 : i32
        %dma_start3A_516 = arith.constant 0 : i32
        %dma_start3A_517 = arith.constant 0 : i32
        %dma_start3A_518 = tpu.memref_slice %arg9[%sub3A_501, %dma_start3A_515, %dma_start3A_516, %dma_start3A_517] : memref<2x5x2x112xi32, #tpu.memory_space<vmem>> -> memref<1x5x2x112xi32, #tpu.memory_space<vmem>>
        %dma_start3A_519 = tpu.memref_squeeze %dma_start3A_518 : memref<1x5x2x112xi32, #tpu.memory_space<vmem>> -> memref<5x2x112xi32, #tpu.memory_space<vmem>>
        %dma_start3A_520 = arith.constant 0 : i32
        %dma_start3A_521 = arith.constant 0 : i32
        %dma_start3A_522 = tpu.memref_slice %arg2[%add3A, %mul3A_500, %dma_start3A_520, %dma_start3A_521] : memref<32x90x2x112xi32, #tpu.memory_space<hbm>> -> memref<1x5x2x112xi32, #tpu.memory_space<hbm>>
        %dma_start3A_523 = tpu.memref_squeeze %dma_start3A_522 : memref<1x5x2x112xi32, #tpu.memory_space<hbm>> -> memref<5x2x112xi32, #tpu.memory_space<hbm>>
        tpu.enqueue_dma source(%dma_start3A_523 : memref<5x2x112xi32, #tpu.memory_space<hbm>>) target(%dma_start3A_519 : memref<5x2x112xi32, #tpu.memory_space<vmem>>) target_semaphore(%dma_start3A_514 : memref<!tpu.dma_semaphore, #tpu.memory_space<semaphore_mem>>)
      } else {
      }
      %dma_start3A_58 = arith.constant 0 : i32
      %dma_start3A_59 = arith.constant 0 : i32
      %dma_start3A_60 = arith.constant 0 : i32
      %dma_start3A_61 = arith.constant 0 : i32
      %dma_start3A_62 = arith.constant 0 : i32
      %dma_start3A_63 = arith.constant 0 : i32
      %dma_start3A_64 = tpu.memref_slice %arg10[%dma_start3A_60, %dma_start3A_62, %dma_start3A_63] : memref<2x112x64xi32, #tpu.memory_space<vmem>> -> memref<1x112x64xi32, #tpu.memory_space<vmem>>
      %dma_start3A_65 = tpu.memref_squeeze %dma_start3A_64 : memref<1x112x64xi32, #tpu.memory_space<vmem>> -> memref<112x64xi32, #tpu.memory_space<vmem>>
      %dma_start3A_66 = arith.constant 0 : i32
      %dma_start3A_67 = tpu.memref_slice %arg9[%rem3A_33, %dma_start3A_58, %dma_start3A_59, %dma_start3A_66] : memref<2x5x2x112xi32, #tpu.memory_space<vmem>> -> memref<1x1x1x112xi32, #tpu.memory_space<vmem>>
      %dma_start3A_68 = tpu.memref_squeeze %dma_start3A_67 : memref<1x1x1x112xi32, #tpu.memory_space<vmem>> -> memref<112xi32, #tpu.memory_space<vmem>>
      %dma_start3A_69 = arith.constant 0 : i32
      %dma_start3A_70 = arith.constant 0 : i32
      %dma_start3A_71 = tpu.memref_slice %arg3[%dma_start3A_69, %dma_start3A_70] : memref<10000x64xi32, #tpu.memory_space<hbm>> -> memref<10000x64xi32, #tpu.memory_space<hbm>>
      %dma_start3A_72 = tpu.memref_slice %arg16[%dma_start3A_61] : memref<2x!tpu.dma_semaphore, #tpu.memory_space<semaphore_mem>> -> memref<1x!tpu.dma_semaphore, #tpu.memory_space<semaphore_mem>>
      %dma_start3A_73 = tpu.memref_squeeze %dma_start3A_72 : memref<1x!tpu.dma_semaphore, #tpu.memory_space<semaphore_mem>> -> memref<!tpu.dma_semaphore, #tpu.memory_space<semaphore_mem>>
      tpu.enqueue_indirect_dma source(%dma_start3A_71 : memref<10000x64xi32, #tpu.memory_space<hbm>>) target(%dma_start3A_65 : memref<112x64xi32, #tpu.memory_space<vmem>>) offsets(%dma_start3A_68 : memref<112xi32, #tpu.memory_space<vmem>>) semaphore(%dma_start3A_73 : memref<!tpu.dma_semaphore, #tpu.memory_space<semaphore_mem>>)
      %dma_start3A_74 = arith.constant 1 : i32
      %dma_start3A_75 = arith.constant 0 : i32
      %dma_start3A_76 = arith.constant 1 : i32
      %dma_start3A_77 = arith.constant 1 : i32
      %dma_start3A_78 = arith.constant 0 : i32
      %dma_start3A_79 = arith.constant 0 : i32
      %dma_start3A_80 = tpu.memref_slice %arg10[%dma_start3A_76, %dma_start3A_78, %dma_start3A_79] : memref<2x112x64xi32, #tpu.memory_space<vmem>> -> memref<1x112x64xi32, #tpu.memory_space<vmem>>
      %dma_start3A_81 = tpu.memref_squeeze %dma_start3A_80 : memref<1x112x64xi32, #tpu.memory_space<vmem>> -> memref<112x64xi32, #tpu.memory_space<vmem>>
      %dma_start3A_82 = arith.constant 0 : i32
      %dma_start3A_83 = tpu.memref_slice %arg9[%rem3A_33, %dma_start3A_74, %dma_start3A_75, %dma_start3A_82] : memref<2x5x2x112xi32, #tpu.memory_space<vmem>> -> memref<1x1x1x112xi32, #tpu.memory_space<vmem>>
      %dma_start3A_84 = tpu.memref_squeeze %dma_start3A_83 : memref<1x1x1x112xi32, #tpu.memory_space<vmem>> -> memref<112xi32, #tpu.memory_space<vmem>>
      %dma_start3A_85 = arith.constant 0 : i32
      %dma_start3A_86 = arith.constant 0 : i32
      %dma_start3A_87 = tpu.memref_slice %arg3[%dma_start3A_85, %dma_start3A_86] : memref<10000x64xi32, #tpu.memory_space<hbm>> -> memref<10000x64xi32, #tpu.memory_space<hbm>>
      %dma_start3A_88 = tpu.memref_slice %arg16[%dma_start3A_77] : memref<2x!tpu.dma_semaphore, #tpu.memory_space<semaphore_mem>> -> memref<1x!tpu.dma_semaphore, #tpu.memory_space<semaphore_mem>>
      %dma_start3A_89 = tpu.memref_squeeze %dma_start3A_88 : memref<1x!tpu.dma_semaphore, #tpu.memory_space<semaphore_mem>> -> memref<!tpu.dma_semaphore, #tpu.memory_space<semaphore_mem>>
      tpu.enqueue_indirect_dma source(%dma_start3A_87 : memref<10000x64xi32, #tpu.memory_space<hbm>>) target(%dma_start3A_81 : memref<112x64xi32, #tpu.memory_space<vmem>>) offsets(%dma_start3A_84 : memref<112xi32, #tpu.memory_space<vmem>>) semaphore(%dma_start3A_89 : memref<!tpu.dma_semaphore, #tpu.memory_space<semaphore_mem>>)
      %dma_wait3A_90 = arith.constant 0 : i32
      %dma_wait3A_91 = arith.constant 0 : i32
      %dma_wait3A_92 = arith.constant 0 : i32
      %dma_wait3A_93 = arith.constant 0 : i32
      %dma_wait3A_94 = arith.constant 0 : i32
      %dma_wait3A_95 = arith.constant 0 : i32
      %dma_wait3A_96 = tpu.memref_slice %arg10[%dma_wait3A_92, %dma_wait3A_94, %dma_wait3A_95] : memref<2x112x64xi32, #tpu.memory_space<vmem>> -> memref<1x112x64xi32, #tpu.memory_space<vmem>>
      %dma_wait3A_97 = tpu.memref_squeeze %dma_wait3A_96 : memref<1x112x64xi32, #tpu.memory_space<vmem>> -> memref<112x64xi32, #tpu.memory_space<vmem>>
      %dma_wait3A_98 = arith.constant 0 : i32
      %dma_wait3A_99 = tpu.memref_slice %arg9[%rem3A_33, %dma_wait3A_90, %dma_wait3A_91, %dma_wait3A_98] : memref<2x5x2x112xi32, #tpu.memory_space<vmem>> -> memref<1x1x1x112xi32, #tpu.memory_space<vmem>>
      %dma_wait3A_100 = tpu.memref_squeeze %dma_wait3A_99 : memref<1x1x1x112xi32, #tpu.memory_space<vmem>> -> memref<112xi32, #tpu.memory_space<vmem>>
      %dma_wait3A_101 = arith.constant 0 : i32
      %dma_wait3A_102 = arith.constant 0 : i32
      %dma_wait3A_103 = tpu.memref_slice %arg3[%dma_wait3A_101, %dma_wait3A_102] : memref<10000x64xi32, #tpu.memory_space<hbm>> -> memref<10000x64xi32, #tpu.memory_space<hbm>>
      %dma_wait3A_104 = tpu.memref_slice %arg16[%dma_wait3A_93] : memref<2x!tpu.dma_semaphore, #tpu.memory_space<semaphore_mem>> -> memref<1x!tpu.dma_semaphore, #tpu.memory_space<semaphore_mem>>
      %dma_wait3A_105 = tpu.memref_squeeze %dma_wait3A_104 : memref<1x!tpu.dma_semaphore, #tpu.memory_space<semaphore_mem>> -> memref<!tpu.dma_semaphore, #tpu.memory_space<semaphore_mem>>
      tpu.wait_indirect_dma semaphore(%dma_wait3A_105 : memref<!tpu.dma_semaphore, #tpu.memory_space<semaphore_mem>>) src(%dma_wait3A_103 : memref<10000x64xi32, #tpu.memory_space<hbm>>) dst(%dma_wait3A_97 : memref<112x64xi32, #tpu.memory_space<vmem>>)
      %broadcast_in_dim3A = arith.constant 16 : i32
      %broadcast_in_dim3A_106 = vector.broadcast %broadcast_in_dim3A : i32 to vector<16xi32>
      %broadcast_in_dim3A_107 = arith.constant -65536 : i32
      %broadcast_in_dim3A_108 = vector.broadcast %broadcast_in_dim3A_107 : i32 to vector<16xi32>
      %scan3A_109 = arith.constant 0 : i32
      %scan3A_110 = arith.constant 0 : i32
      %scan3A_111 = arith.constant 112 : i32
      %scan3A_112 = arith.addi %scan3A_110, %scan3A_111 : i32
      %scan3A_113 = arith.constant 1 : i32
      scf.for %scan3A_497 = %scan3A_110 to %scan3A_112 step %scan3A_113  : i32 {
        %get3A = arith.constant 0 : i32
        %get3A_498 = arith.index_cast %get3A : i32 to index
        %get3A_499 = arith.index_cast %scan3A_497 : i32 to index
        %get3A_500 = arith.constant 0 : index
        %get3A_501 = tpu.vector_load %arg10[%get3A_498, %get3A_499, %get3A_500] {strides = array<i32>} : memref<2x112x64xi32, #tpu.memory_space<vmem>>, vector<1x1x16xi32>,
        %get3A_502 = vector.shape_cast %get3A_501 : vector<1x1x16xi32> to vector<16xi32>
        %shift_left3A = arith.shli %get3A_502, %broadcast_in_dim3A_106 : vector<16xi32>
        %bitcast_convert_type3A = tpu.bitcast %shift_left3A : vector<16xi32> -> vector<16xf32>
        %and3A = arith.andi %get3A_502, %broadcast_in_dim3A_108 : vector<16xi32>
        %bitcast_convert_type3A_503 = tpu.bitcast %and3A : vector<16xi32> -> vector<16xf32>
        %swap3A = arith.constant 0 : i32
        %swap3A_504 = arith.index_cast %swap3A : i32 to index
        %swap3A_505 = arith.index_cast %scan3A_497 : i32 to index
        %swap3A_506 = arith.constant 0 : index
        %swap3A_507 = tpu.vector_load %arg11[%swap3A_504, %swap3A_505, %swap3A_506] {strides = array<i32>} : memref<2x112x128xf32, #tpu.memory_space<vmem>>, vector<1x1x16xf32>,
        %swap3A_508 = vector.shape_cast %swap3A_507 : vector<1x1x16xf32> to vector<16xf32>
        %swap3A_509 = vector.shape_cast %bitcast_convert_type3A : vector<16xf32> to vector<1x1x16xf32>
        tpu.vector_store %arg11[%swap3A_504, %swap3A_505, %swap3A_506], %swap3A_509 {strides = array<i32>} : memref<2x112x128xf32, #tpu.memory_space<vmem>>, vector<1x1x16xf32>,
        %swap3A_510 = arith.constant 0 : i32
        %swap3A_511 = arith.index_cast %swap3A_510 : i32 to index
        %swap3A_512 = arith.index_cast %scan3A_497 : i32 to index
        %swap3A_513 = arith.constant 16 : index
        %swap3A_514 = tpu.vector_load %arg11[%swap3A_511, %swap3A_512, %swap3A_513] {strides = array<i32>} : memref<2x112x128xf32, #tpu.memory_space<vmem>>, vector<1x1x16xf32>,
        %swap3A_515 = vector.shape_cast %swap3A_514 : vector<1x1x16xf32> to vector<16xf32>
        %swap3A_516 = vector.shape_cast %bitcast_convert_type3A_503 : vector<16xf32> to vector<1x1x16xf32>
        tpu.vector_store %arg11[%swap3A_511, %swap3A_512, %swap3A_513], %swap3A_516 {strides = array<i32>} : memref<2x112x128xf32, #tpu.memory_space<vmem>>, vector<1x1x16xf32>,
        %get3A_517 = arith.constant 0 : i32
        %get3A_518 = arith.index_cast %get3A_517 : i32 to index
        %get3A_519 = arith.index_cast %scan3A_497 : i32 to index
        %get3A_520 = arith.constant 16 : index
        %get3A_521 = tpu.vector_load %arg10[%get3A_518, %get3A_519, %get3A_520] {strides = array<i32>} : memref<2x112x64xi32, #tpu.memory_space<vmem>>, vector<1x1x16xi32>,
        %get3A_522 = vector.shape_cast %get3A_521 : vector<1x1x16xi32> to vector<16xi32>
        %shift_left3A_523 = arith.shli %get3A_522, %broadcast_in_dim3A_106 : vector<16xi32>
        %bitcast_convert_type3A_524 = tpu.bitcast %shift_left3A_523 : vector<16xi32> -> vector<16xf32>
        %and3A_525 = arith.andi %get3A_522, %broadcast_in_dim3A_108 : vector<16xi32>
        %bitcast_convert_type3A_526 = tpu.bitcast %and3A_525 : vector<16xi32> -> vector<16xf32>
        %swap3A_527 = arith.constant 0 : i32
        %swap3A_528 = arith.index_cast %swap3A_527 : i32 to index
        %swap3A_529 = arith.index_cast %scan3A_497 : i32 to index
        %swap3A_530 = arith.constant 32 : index
        %swap3A_531 = tpu.vector_load %arg11[%swap3A_528, %swap3A_529, %swap3A_530] {strides = array<i32>} : memref<2x112x128xf32, #tpu.memory_space<vmem>>, vector<1x1x16xf32>,
        %swap3A_532 = vector.shape_cast %swap3A_531 : vector<1x1x16xf32> to vector<16xf32>
        %swap3A_533 = vector.shape_cast %bitcast_convert_type3A_524 : vector<16xf32> to vector<1x1x16xf32>
        tpu.vector_store %arg11[%swap3A_528, %swap3A_529, %swap3A_530], %swap3A_533 {strides = array<i32>} : memref<2x112x128xf32, #tpu.memory_space<vmem>>, vector<1x1x16xf32>,
        %swap3A_534 = arith.constant 0 : i32
        %swap3A_535 = arith.index_cast %swap3A_534 : i32 to index
        %swap3A_536 = arith.index_cast %scan3A_497 : i32 to index
        %swap3A_537 = arith.constant 48 : index
        %swap3A_538 = tpu.vector_load %arg11[%swap3A_535, %swap3A_536, %swap3A_537] {strides = array<i32>} : memref<2x112x128xf32, #tpu.memory_space<vmem>>, vector<1x1x16xf32>,
        %swap3A_539 = vector.shape_cast %swap3A_538 : vector<1x1x16xf32> to vector<16xf32>
        %swap3A_540 = vector.shape_cast %bitcast_convert_type3A_526 : vector<16xf32> to vector<1x1x16xf32>
        tpu.vector_store %arg11[%swap3A_535, %swap3A_536, %swap3A_537], %swap3A_540 {strides = array<i32>} : memref<2x112x128xf32, #tpu.memory_space<vmem>>, vector<1x1x16xf32>,
        %get3A_541 = arith.constant 0 : i32
        %get3A_542 = arith.index_cast %get3A_541 : i32 to index
        %get3A_543 = arith.index_cast %scan3A_497 : i32 to index
        %get3A_544 = arith.constant 32 : index
        %get3A_545 = tpu.vector_load %arg10[%get3A_542, %get3A_543, %get3A_544] {strides = array<i32>} : memref<2x112x64xi32, #tpu.memory_space<vmem>>, vector<1x1x16xi32>,
        %get3A_546 = vector.shape_cast %get3A_545 : vector<1x1x16xi32> to vector<16xi32>
        %shift_left3A_547 = arith.shli %get3A_546, %broadcast_in_dim3A_106 : vector<16xi32>
        %bitcast_convert_type3A_548 = tpu.bitcast %shift_left3A_547 : vector<16xi32> -> vector<16xf32>
        %and3A_549 = arith.andi %get3A_546, %broadcast_in_dim3A_108 : vector<16xi32>
        %bitcast_convert_type3A_550 = tpu.bitcast %and3A_549 : vector<16xi32> -> vector<16xf32>
        %swap3A_551 = arith.constant 0 : i32
        %swap3A_552 = arith.index_cast %swap3A_551 : i32 to index
        %swap3A_553 = arith.index_cast %scan3A_497 : i32 to index
        %swap3A_554 = arith.constant 64 : index
        %swap3A_555 = tpu.vector_load %arg11[%swap3A_552, %swap3A_553, %swap3A_554] {strides = array<i32>} : memref<2x112x128xf32, #tpu.memory_space<vmem>>, vector<1x1x16xf32>,
        %swap3A_556 = vector.shape_cast %swap3A_555 : vector<1x1x16xf32> to vector<16xf32>
        %swap3A_557 = vector.shape_cast %bitcast_convert_type3A_548 : vector<16xf32> to vector<1x1x16xf32>
        tpu.vector_store %arg11[%swap3A_552, %swap3A_553, %swap3A_554], %swap3A_557 {strides = array<i32>} : memref<2x112x128xf32, #tpu.memory_space<vmem>>, vector<1x1x16xf32>,
        %swap3A_558 = arith.constant 0 : i32
        %swap3A_559 = arith.index_cast %swap3A_558 : i32 to index
        %swap3A_560 = arith.index_cast %scan3A_497 : i32 to index
        %swap3A_561 = arith.constant 80 : index
        %swap3A_562 = tpu.vector_load %arg11[%swap3A_559, %swap3A_560, %swap3A_561] {strides = array<i32>} : memref<2x112x128xf32, #tpu.memory_space<vmem>>, vector<1x1x16xf32>,
        %swap3A_563 = vector.shape_cast %swap3A_562 : vector<1x1x16xf32> to vector<16xf32>
        %swap3A_564 = vector.shape_cast %bitcast_convert_type3A_550 : vector<16xf32> to vector<1x1x16xf32>
        tpu.vector_store %arg11[%swap3A_559, %swap3A_560, %swap3A_561], %swap3A_564 {strides = array<i32>} : memref<2x112x128xf32, #tpu.memory_space<vmem>>, vector<1x1x16xf32>,
        %get3A_565 = arith.constant 0 : i32
        %get3A_566 = arith.index_cast %get3A_565 : i32 to index
        %get3A_567 = arith.index_cast %scan3A_497 : i32 to index
        %get3A_568 = arith.constant 48 : index
        %get3A_569 = tpu.vector_load %arg10[%get3A_566, %get3A_567, %get3A_568] {strides = array<i32>} : memref<2x112x64xi32, #tpu.memory_space<vmem>>, vector<1x1x16xi32>,
        %get3A_570 = vector.shape_cast %get3A_569 : vector<1x1x16xi32> to vector<16xi32>
        %shift_left3A_571 = arith.shli %get3A_570, %broadcast_in_dim3A_106 : vector<16xi32>
        %bitcast_convert_type3A_572 = tpu.bitcast %shift_left3A_571 : vector<16xi32> -> vector<16xf32>
        %and3A_573 = arith.andi %get3A_570, %broadcast_in_dim3A_108 : vector<16xi32>
        %bitcast_convert_type3A_574 = tpu.bitcast %and3A_573 : vector<16xi32> -> vector<16xf32>
        %swap3A_575 = arith.constant 0 : i32
        %swap3A_576 = arith.index_cast %swap3A_575 : i32 to index
        %swap3A_577 = arith.index_cast %scan3A_497 : i32 to index
        %swap3A_578 = arith.constant 96 : index
        %swap3A_579 = tpu.vector_load %arg11[%swap3A_576, %swap3A_577, %swap3A_578] {strides = array<i32>} : memref<2x112x128xf32, #tpu.memory_space<vmem>>, vector<1x1x16xf32>,
        %swap3A_580 = vector.shape_cast %swap3A_579 : vector<1x1x16xf32> to vector<16xf32>
        %swap3A_581 = vector.shape_cast %bitcast_convert_type3A_572 : vector<16xf32> to vector<1x1x16xf32>
        tpu.vector_store %arg11[%swap3A_576, %swap3A_577, %swap3A_578], %swap3A_581 {strides = array<i32>} : memref<2x112x128xf32, #tpu.memory_space<vmem>>, vector<1x1x16xf32>,
        %swap3A_582 = arith.constant 0 : i32
        %swap3A_583 = arith.index_cast %swap3A_582 : i32 to index
        %swap3A_584 = arith.index_cast %scan3A_497 : i32 to index
        %swap3A_585 = arith.constant 112 : index
        %swap3A_586 = tpu.vector_load %arg11[%swap3A_583, %swap3A_584, %swap3A_585] {strides = array<i32>} : memref<2x112x128xf32, #tpu.memory_space<vmem>>, vector<1x1x16xf32>,
        %swap3A_587 = vector.shape_cast %swap3A_586 : vector<1x1x16xf32> to vector<16xf32>
        %swap3A_588 = vector.shape_cast %bitcast_convert_type3A_574 : vector<16xf32> to vector<1x1x16xf32>
        tpu.vector_store %arg11[%swap3A_583, %swap3A_584, %swap3A_585], %swap3A_588 {strides = array<i32>} : memref<2x112x128xf32, #tpu.memory_space<vmem>>, vector<1x1x16xf32>,
      }
      %scan3A_114 = arith.constant 112 : i32
      %dma_start3A_115 = arith.constant 0 : i32
      %dma_start3A_116 = arith.constant 0 : i32
      %dma_start3A_117 = arith.constant 1 : i32
      %dma_start3A_118 = arith.constant 0 : i32
      %dma_start3A_119 = arith.constant 0 : i32
      %dma_start3A_120 = arith.constant 0 : i32
      %dma_start3A_121 = tpu.memref_slice %arg11[%dma_start3A_115, %dma_start3A_119, %dma_start3A_120] : memref<2x112x128xf32, #tpu.memory_space<vmem>> -> memref<1x112x128xf32, #tpu.memory_space<vmem>>
      %dma_start3A_122 = tpu.memref_squeeze %dma_start3A_121 : memref<1x112x128xf32, #tpu.memory_space<vmem>> -> memref<112x128xf32, #tpu.memory_space<vmem>>
      %dma_start3A_123 = arith.constant 0 : i32
      %dma_start3A_124 = tpu.memref_slice %arg9[%rem3A_33, %dma_start3A_116, %dma_start3A_117, %dma_start3A_123] : memref<2x5x2x112xi32, #tpu.memory_space<vmem>> -> memref<1x1x1x112xi32, #tpu.memory_space<vmem>>
      %dma_start3A_125 = tpu.memref_squeeze %dma_start3A_124 : memref<1x1x1x112xi32, #tpu.memory_space<vmem>> -> memref<112xi32, #tpu.memory_space<vmem>>
      %dma_start3A_126 = arith.constant 0 : i32
      %dma_start3A_127 = arith.constant 0 : i32
      %dma_start3A_128 = tpu.memref_slice %arg13[%dma_start3A_126, %dma_start3A_127] : memref<10240x128xf32, #tpu.memory_space<vmem_shared>> -> memref<10240x128xf32, #tpu.memory_space<vmem_shared>>
      %dma_start3A_129 = tpu.memref_slice %arg17[%dma_start3A_118] : memref<2x!tpu.dma_semaphore, #tpu.memory_space<semaphore_mem>> -> memref<1x!tpu.dma_semaphore, #tpu.memory_space<semaphore_mem>>
      %dma_start3A_130 = tpu.memref_squeeze %dma_start3A_129 : memref<1x!tpu.dma_semaphore, #tpu.memory_space<semaphore_mem>> -> memref<!tpu.dma_semaphore, #tpu.memory_space<semaphore_mem>>
      tpu.enqueue_indirect_dma source(%dma_start3A_122 : memref<112x128xf32, #tpu.memory_space<vmem>>) target(%dma_start3A_128 : memref<10240x128xf32, #tpu.memory_space<vmem_shared>>) offsets(%dma_start3A_125 : memref<112xi32, #tpu.memory_space<vmem>>) semaphore(%dma_start3A_130 : memref<!tpu.dma_semaphore, #tpu.memory_space<semaphore_mem>>) {add = true}
      %dma_start3A_131 = arith.constant 0 : i32
      %dma_start3A_132 = arith.constant 1 : i32
      %dma_start3A_133 = arith.constant 0 : i32
      %dma_start3A_134 = tpu.memref_slice %arg9[%rem3A_33, %dma_start3A_131, %dma_start3A_132, %dma_start3A_133] : memref<2x5x2x112xi32, #tpu.memory_space<vmem>> -> memref<1x1x1x112xi32, #tpu.memory_space<vmem>>
      %dma_start3A_135 = tpu.memref_squeeze %dma_start3A_134 : memref<1x1x1x112xi32, #tpu.memory_space<vmem>> -> memref<112xi32, #tpu.memory_space<vmem>>
      %dma_start3A_136 = arith.constant 0 : i32
      %dma_start3A_137 = tpu.memref_slice %arg14[%dma_start3A_136] : memref<10240xf32, #tpu.memory_space<vmem_shared>> -> memref<10240xf32, #tpu.memory_space<vmem_shared>>
      tpu.enqueue_indirect_dma source(%arg12 : memref<112xf32, #tpu.memory_space<vmem>>) target(%dma_start3A_137 : memref<10240xf32, #tpu.memory_space<vmem_shared>>) offsets(%dma_start3A_135 : memref<112xi32, #tpu.memory_space<vmem>>) semaphore(%arg18 : memref<!tpu.dma_semaphore, #tpu.memory_space<semaphore_mem>>) {add = true}
      %dma_start3A_138 = arith.constant 2 : i32
      %dma_start3A_139 = arith.constant 0 : i32
      %dma_start3A_140 = arith.constant 0 : i32
      %dma_start3A_141 = arith.constant 0 : i32
      %dma_start3A_142 = arith.constant 0 : i32
      %dma_start3A_143 = arith.constant 0 : i32
      %dma_start3A_144 = tpu.memref_slice %arg10[%dma_start3A_140, %dma_start3A_142, %dma_start3A_143] : memref<2x112x64xi32, #tpu.memory_space<vmem>> -> memref<1x112x64xi32, #tpu.memory_space<vmem>>
      %dma_start3A_145 = tpu.memref_squeeze %dma_start3A_144 : memref<1x112x64xi32, #tpu.memory_space<vmem>> -> memref<112x64xi32, #tpu.memory_space<vmem>>
      %dma_start3A_146 = arith.constant 0 : i32
      %dma_start3A_147 = tpu.memref_slice %arg9[%rem3A_33, %dma_start3A_138, %dma_start3A_139, %dma_start3A_146] : memref<2x5x2x112xi32, #tpu.memory_space<vmem>> -> memref<1x1x1x112xi32, #tpu.memory_space<vmem>>
      %dma_start3A_148 = tpu.memref_squeeze %dma_start3A_147 : memref<1x1x1x112xi32, #tpu.memory_space<vmem>> -> memref<112xi32, #tpu.memory_space<vmem>>
      %dma_start3A_149 = arith.constant 0 : i32
      %dma_start3A_150 = arith.constant 0 : i32
      %dma_start3A_151 = tpu.memref_slice %arg3[%dma_start3A_149, %dma_start3A_150] : memref<10000x64xi32, #tpu.memory_space<hbm>> -> memref<10000x64xi32, #tpu.memory_space<hbm>>
      %dma_start3A_152 = tpu.memref_slice %arg16[%dma_start3A_141] : memref<2x!tpu.dma_semaphore, #tpu.memory_space<semaphore_mem>> -> memref<1x!tpu.dma_semaphore, #tpu.memory_space<semaphore_mem>>
      %dma_start3A_153 = tpu.memref_squeeze %dma_start3A_152 : memref<1x!tpu.dma_semaphore, #tpu.memory_space<semaphore_mem>> -> memref<!tpu.dma_semaphore, #tpu.memory_space<semaphore_mem>>
      tpu.enqueue_indirect_dma source(%dma_start3A_151 : memref<10000x64xi32, #tpu.memory_space<hbm>>) target(%dma_start3A_145 : memref<112x64xi32, #tpu.memory_space<vmem>>) offsets(%dma_start3A_148 : memref<112xi32, #tpu.memory_space<vmem>>) semaphore(%dma_start3A_153 : memref<!tpu.dma_semaphore, #tpu.memory_space<semaphore_mem>>)
      %dma_wait3A_154 = arith.constant 1 : i32
      %dma_wait3A_155 = arith.constant 0 : i32
      %dma_wait3A_156 = arith.constant 1 : i32
      %dma_wait3A_157 = arith.constant 1 : i32
      %dma_wait3A_158 = arith.constant 0 : i32
      %dma_wait3A_159 = arith.constant 0 : i32
      %dma_wait3A_160 = tpu.memref_slice %arg10[%dma_wait3A_156, %dma_wait3A_158, %dma_wait3A_159] : memref<2x112x64xi32, #tpu.memory_space<vmem>> -> memref<1x112x64xi32, #tpu.memory_space<vmem>>
      %dma_wait3A_161 = tpu.memref_squeeze %dma_wait3A_160 : memref<1x112x64xi32, #tpu.memory_space<vmem>> -> memref<112x64xi32, #tpu.memory_space<vmem>>
      %dma_wait3A_162 = arith.constant 0 : i32
      %dma_wait3A_163 = tpu.memref_slice %arg9[%rem3A_33, %dma_wait3A_154, %dma_wait3A_155, %dma_wait3A_162] : memref<2x5x2x112xi32, #tpu.memory_space<vmem>> -> memref<1x1x1x112xi32, #tpu.memory_space<vmem>>
      %dma_wait3A_164 = tpu.memref_squeeze %dma_wait3A_163 : memref<1x1x1x112xi32, #tpu.memory_space<vmem>> -> memref<112xi32, #tpu.memory_space<vmem>>
      %dma_wait3A_165 = arith.constant 0 : i32
      %dma_wait3A_166 = arith.constant 0 : i32
      %dma_wait3A_167 = tpu.memref_slice %arg3[%dma_wait3A_165, %dma_wait3A_166] : memref<10000x64xi32, #tpu.memory_space<hbm>> -> memref<10000x64xi32, #tpu.memory_space<hbm>>
      %dma_wait3A_168 = tpu.memref_slice %arg16[%dma_wait3A_157] : memref<2x!tpu.dma_semaphore, #tpu.memory_space<semaphore_mem>> -> memref<1x!tpu.dma_semaphore, #tpu.memory_space<semaphore_mem>>
      %dma_wait3A_169 = tpu.memref_squeeze %dma_wait3A_168 : memref<1x!tpu.dma_semaphore, #tpu.memory_space<semaphore_mem>> -> memref<!tpu.dma_semaphore, #tpu.memory_space<semaphore_mem>>
      tpu.wait_indirect_dma semaphore(%dma_wait3A_169 : memref<!tpu.dma_semaphore, #tpu.memory_space<semaphore_mem>>) src(%dma_wait3A_167 : memref<10000x64xi32, #tpu.memory_space<hbm>>) dst(%dma_wait3A_161 : memref<112x64xi32, #tpu.memory_space<vmem>>)
      %broadcast_in_dim3A_170 = arith.constant 16 : i32
      %broadcast_in_dim3A_171 = vector.broadcast %broadcast_in_dim3A_170 : i32 to vector<16xi32>
      %broadcast_in_dim3A_172 = arith.constant -65536 : i32
      %broadcast_in_dim3A_173 = vector.broadcast %broadcast_in_dim3A_172 : i32 to vector<16xi32>
      %scan3A_174 = arith.constant 0 : i32
      %scan3A_175 = arith.constant 0 : i32
      %scan3A_176 = arith.constant 112 : i32
      %scan3A_177 = arith.addi %scan3A_175, %scan3A_176 : i32
      %scan3A_178 = arith.constant 1 : i32
      scf.for %scan3A_497 = %scan3A_175 to %scan3A_177 step %scan3A_178  : i32 {
        %get3A = arith.constant 1 : i32
        %get3A_498 = arith.index_cast %get3A : i32 to index
        %get3A_499 = arith.index_cast %scan3A_497 : i32 to index
        %get3A_500 = arith.constant 0 : index
        %get3A_501 = tpu.vector_load %arg10[%get3A_498, %get3A_499, %get3A_500] {strides = array<i32>} : memref<2x112x64xi32, #tpu.memory_space<vmem>>, vector<1x1x16xi32>,
        %get3A_502 = vector.shape_cast %get3A_501 : vector<1x1x16xi32> to vector<16xi32>
        %shift_left3A = arith.shli %get3A_502, %broadcast_in_dim3A_171 : vector<16xi32>
        %bitcast_convert_type3A = tpu.bitcast %shift_left3A : vector<16xi32> -> vector<16xf32>
        %and3A = arith.andi %get3A_502, %broadcast_in_dim3A_173 : vector<16xi32>
        %bitcast_convert_type3A_503 = tpu.bitcast %and3A : vector<16xi32> -> vector<16xf32>
        %swap3A = arith.constant 1 : i32
        %swap3A_504 = arith.index_cast %swap3A : i32 to index
        %swap3A_505 = arith.index_cast %scan3A_497 : i32 to index
        %swap3A_506 = arith.constant 0 : index
        %swap3A_507 = tpu.vector_load %arg11[%swap3A_504, %swap3A_505, %swap3A_506] {strides = array<i32>} : memref<2x112x128xf32, #tpu.memory_space<vmem>>, vector<1x1x16xf32>,
        %swap3A_508 = vector.shape_cast %swap3A_507 : vector<1x1x16xf32> to vector<16xf32>
        %swap3A_509 = vector.shape_cast %bitcast_convert_type3A : vector<16xf32> to vector<1x1x16xf32>
        tpu.vector_store %arg11[%swap3A_504, %swap3A_505, %swap3A_506], %swap3A_509 {strides = array<i32>} : memref<2x112x128xf32, #tpu.memory_space<vmem>>, vector<1x1x16xf32>,
        %swap3A_510 = arith.constant 1 : i32
        %swap3A_511 = arith.index_cast %swap3A_510 : i32 to index
        %swap3A_512 = arith.index_cast %scan3A_497 : i32 to index
        %swap3A_513 = arith.constant 16 : index
        %swap3A_514 = tpu.vector_load %arg11[%swap3A_511, %swap3A_512, %swap3A_513] {strides = array<i32>} : memref<2x112x128xf32, #tpu.memory_space<vmem>>, vector<1x1x16xf32>,
        %swap3A_515 = vector.shape_cast %swap3A_514 : vector<1x1x16xf32> to vector<16xf32>
        %swap3A_516 = vector.shape_cast %bitcast_convert_type3A_503 : vector<16xf32> to vector<1x1x16xf32>
        tpu.vector_store %arg11[%swap3A_511, %swap3A_512, %swap3A_513], %swap3A_516 {strides = array<i32>} : memref<2x112x128xf32, #tpu.memory_space<vmem>>, vector<1x1x16xf32>,
        %get3A_517 = arith.constant 1 : i32
        %get3A_518 = arith.index_cast %get3A_517 : i32 to index
        %get3A_519 = arith.index_cast %scan3A_497 : i32 to index
        %get3A_520 = arith.constant 16 : index
        %get3A_521 = tpu.vector_load %arg10[%get3A_518, %get3A_519, %get3A_520] {strides = array<i32>} : memref<2x112x64xi32, #tpu.memory_space<vmem>>, vector<1x1x16xi32>,
        %get3A_522 = vector.shape_cast %get3A_521 : vector<1x1x16xi32> to vector<16xi32>
        %shift_left3A_523 = arith.shli %get3A_522, %broadcast_in_dim3A_171 : vector<16xi32>
        %bitcast_convert_type3A_524 = tpu.bitcast %shift_left3A_523 : vector<16xi32> -> vector<16xf32>
        %and3A_525 = arith.andi %get3A_522, %broadcast_in_dim3A_173 : vector<16xi32>
        %bitcast_convert_type3A_526 = tpu.bitcast %and3A_525 : vector<16xi32> -> vector<16xf32>
        %swap3A_527 = arith.constant 1 : i32
        %swap3A_528 = arith.index_cast %swap3A_527 : i32 to index
        %swap3A_529 = arith.index_cast %scan3A_497 : i32 to index
        %swap3A_530 = arith.constant 32 : index
        %swap3A_531 = tpu.vector_load %arg11[%swap3A_528, %swap3A_529, %swap3A_530] {strides = array<i32>} : memref<2x112x128xf32, #tpu.memory_space<vmem>>, vector<1x1x16xf32>,
        %swap3A_532 = vector.shape_cast %swap3A_531 : vector<1x1x16xf32> to vector<16xf32>
        %swap3A_533 = vector.shape_cast %bitcast_convert_type3A_524 : vector<16xf32> to vector<1x1x16xf32>
        tpu.vector_store %arg11[%swap3A_528, %swap3A_529, %swap3A_530], %swap3A_533 {strides = array<i32>} : memref<2x112x128xf32, #tpu.memory_space<vmem>>, vector<1x1x16xf32>,
        %swap3A_534 = arith.constant 1 : i32
        %swap3A_535 = arith.index_cast %swap3A_534 : i32 to index
        %swap3A_536 = arith.index_cast %scan3A_497 : i32 to index
        %swap3A_537 = arith.constant 48 : index
        %swap3A_538 = tpu.vector_load %arg11[%swap3A_535, %swap3A_536, %swap3A_537] {strides = array<i32>} : memref<2x112x128xf32, #tpu.memory_space<vmem>>, vector<1x1x16xf32>,
        %swap3A_539 = vector.shape_cast %swap3A_538 : vector<1x1x16xf32> to vector<16xf32>
        %swap3A_540 = vector.shape_cast %bitcast_convert_type3A_526 : vector<16xf32> to vector<1x1x16xf32>
        tpu.vector_store %arg11[%swap3A_535, %swap3A_536, %swap3A_537], %swap3A_540 {strides = array<i32>} : memref<2x112x128xf32, #tpu.memory_space<vmem>>, vector<1x1x16xf32>,
        %get3A_541 = arith.constant 1 : i32
        %get3A_542 = arith.index_cast %get3A_541 : i32 to index
        %get3A_543 = arith.index_cast %scan3A_497 : i32 to index
        %get3A_544 = arith.constant 32 : index
        %get3A_545 = tpu.vector_load %arg10[%get3A_542, %get3A_543, %get3A_544] {strides = array<i32>} : memref<2x112x64xi32, #tpu.memory_space<vmem>>, vector<1x1x16xi32>,
        %get3A_546 = vector.shape_cast %get3A_545 : vector<1x1x16xi32> to vector<16xi32>
        %shift_left3A_547 = arith.shli %get3A_546, %broadcast_in_dim3A_171 : vector<16xi32>
        %bitcast_convert_type3A_548 = tpu.bitcast %shift_left3A_547 : vector<16xi32> -> vector<16xf32>
        %and3A_549 = arith.andi %get3A_546, %broadcast_in_dim3A_173 : vector<16xi32>
        %bitcast_convert_type3A_550 = tpu.bitcast %and3A_549 : vector<16xi32> -> vector<16xf32>
        %swap3A_551 = arith.constant 1 : i32
        %swap3A_552 = arith.index_cast %swap3A_551 : i32 to index
        %swap3A_553 = arith.index_cast %scan3A_497 : i32 to index
        %swap3A_554 = arith.constant 64 : index
        %swap3A_555 = tpu.vector_load %arg11[%swap3A_552, %swap3A_553, %swap3A_554] {strides = array<i32>} : memref<2x112x128xf32, #tpu.memory_space<vmem>>, vector<1x1x16xf32>,
        %swap3A_556 = vector.shape_cast %swap3A_555 : vector<1x1x16xf32> to vector<16xf32>
        %swap3A_557 = vector.shape_cast %bitcast_convert_type3A_548 : vector<16xf32> to vector<1x1x16xf32>
        tpu.vector_store %arg11[%swap3A_552, %swap3A_553, %swap3A_554], %swap3A_557 {strides = array<i32>} : memref<2x112x128xf32, #tpu.memory_space<vmem>>, vector<1x1x16xf32>,
        %swap3A_558 = arith.constant 1 : i32
        %swap3A_559 = arith.index_cast %swap3A_558 : i32 to index
        %swap3A_560 = arith.index_cast %scan3A_497 : i32 to index
        %swap3A_561 = arith.constant 80 : index
        %swap3A_562 = tpu.vector_load %arg11[%swap3A_559, %swap3A_560, %swap3A_561] {strides = array<i32>} : memref<2x112x128xf32, #tpu.memory_space<vmem>>, vector<1x1x16xf32>,
        %swap3A_563 = vector.shape_cast %swap3A_562 : vector<1x1x16xf32> to vector<16xf32>
        %swap3A_564 = vector.shape_cast %bitcast_convert_type3A_550 : vector<16xf32> to vector<1x1x16xf32>
        tpu.vector_store %arg11[%swap3A_559, %swap3A_560, %swap3A_561], %swap3A_564 {strides = array<i32>} : memref<2x112x128xf32, #tpu.memory_space<vmem>>, vector<1x1x16xf32>,
        %get3A_565 = arith.constant 1 : i32
        %get3A_566 = arith.index_cast %get3A_565 : i32 to index
        %get3A_567 = arith.index_cast %scan3A_497 : i32 to index
        %get3A_568 = arith.constant 48 : index
        %get3A_569 = tpu.vector_load %arg10[%get3A_566, %get3A_567, %get3A_568] {strides = array<i32>} : memref<2x112x64xi32, #tpu.memory_space<vmem>>, vector<1x1x16xi32>,
        %get3A_570 = vector.shape_cast %get3A_569 : vector<1x1x16xi32> to vector<16xi32>
        %shift_left3A_571 = arith.shli %get3A_570, %broadcast_in_dim3A_171 : vector<16xi32>
        %bitcast_convert_type3A_572 = tpu.bitcast %shift_left3A_571 : vector<16xi32> -> vector<16xf32>
        %and3A_573 = arith.andi %get3A_570, %broadcast_in_dim3A_173 : vector<16xi32>
        %bitcast_convert_type3A_574 = tpu.bitcast %and3A_573 : vector<16xi32> -> vector<16xf32>
        %swap3A_575 = arith.constant 1 : i32
        %swap3A_576 = arith.index_cast %swap3A_575 : i32 to index
        %swap3A_577 = arith.index_cast %scan3A_497 : i32 to index
        %swap3A_578 = arith.constant 96 : index
        %swap3A_579 = tpu.vector_load %arg11[%swap3A_576, %swap3A_577, %swap3A_578] {strides = array<i32>} : memref<2x112x128xf32, #tpu.memory_space<vmem>>, vector<1x1x16xf32>,
        %swap3A_580 = vector.shape_cast %swap3A_579 : vector<1x1x16xf32> to vector<16xf32>
        %swap3A_581 = vector.shape_cast %bitcast_convert_type3A_572 : vector<16xf32> to vector<1x1x16xf32>
        tpu.vector_store %arg11[%swap3A_576, %swap3A_577, %swap3A_578], %swap3A_581 {strides = array<i32>} : memref<2x112x128xf32, #tpu.memory_space<vmem>>, vector<1x1x16xf32>,
        %swap3A_582 = arith.constant 1 : i32
        %swap3A_583 = arith.index_cast %swap3A_582 : i32 to index
        %swap3A_584 = arith.index_cast %scan3A_497 : i32 to index
        %swap3A_585 = arith.constant 112 : index
        %swap3A_586 = tpu.vector_load %arg11[%swap3A_583, %swap3A_584, %swap3A_585] {strides = array<i32>} : memref<2x112x128xf32, #tpu.memory_space<vmem>>, vector<1x1x16xf32>,
        %swap3A_587 = vector.shape_cast %swap3A_586 : vector<1x1x16xf32> to vector<16xf32>
        %swap3A_588 = vector.shape_cast %bitcast_convert_type3A_574 : vector<16xf32> to vector<1x1x16xf32>
        tpu.vector_store %arg11[%swap3A_583, %swap3A_584, %swap3A_585], %swap3A_588 {strides = array<i32>} : memref<2x112x128xf32, #tpu.memory_space<vmem>>, vector<1x1x16xf32>,
      }
      %scan3A_179 = arith.constant 112 : i32
      %dma_start3A_180 = arith.constant 1 : i32
      %dma_start3A_181 = arith.constant 1 : i32
      %dma_start3A_182 = arith.constant 1 : i32
      %dma_start3A_183 = arith.constant 1 : i32
      %dma_start3A_184 = arith.constant 0 : i32
      %dma_start3A_185 = arith.constant 0 : i32
      %dma_start3A_186 = tpu.memref_slice %arg11[%dma_start3A_180, %dma_start3A_184, %dma_start3A_185] : memref<2x112x128xf32, #tpu.memory_space<vmem>> -> memref<1x112x128xf32, #tpu.memory_space<vmem>>
      %dma_start3A_187 = tpu.memref_squeeze %dma_start3A_186 : memref<1x112x128xf32, #tpu.memory_space<vmem>> -> memref<112x128xf32, #tpu.memory_space<vmem>>
      %dma_start3A_188 = arith.constant 0 : i32
      %dma_start3A_189 = tpu.memref_slice %arg9[%rem3A_33, %dma_start3A_181, %dma_start3A_182, %dma_start3A_188] : memref<2x5x2x112xi32, #tpu.memory_space<vmem>> -> memref<1x1x1x112xi32, #tpu.memory_space<vmem>>
      %dma_start3A_190 = tpu.memref_squeeze %dma_start3A_189 : memref<1x1x1x112xi32, #tpu.memory_space<vmem>> -> memref<112xi32, #tpu.memory_space<vmem>>
      %dma_start3A_191 = arith.constant 0 : i32
      %dma_start3A_192 = arith.constant 0 : i32
      %dma_start3A_193 = tpu.memref_slice %arg13[%dma_start3A_191, %dma_start3A_192] : memref<10240x128xf32, #tpu.memory_space<vmem_shared>> -> memref<10240x128xf32, #tpu.memory_space<vmem_shared>>
      %dma_start3A_194 = tpu.memref_slice %arg17[%dma_start3A_183] : memref<2x!tpu.dma_semaphore, #tpu.memory_space<semaphore_mem>> -> memref<1x!tpu.dma_semaphore, #tpu.memory_space<semaphore_mem>>
      %dma_start3A_195 = tpu.memref_squeeze %dma_start3A_194 : memref<1x!tpu.dma_semaphore, #tpu.memory_space<semaphore_mem>> -> memref<!tpu.dma_semaphore, #tpu.memory_space<semaphore_mem>>
      tpu.enqueue_indirect_dma source(%dma_start3A_187 : memref<112x128xf32, #tpu.memory_space<vmem>>) target(%dma_start3A_193 : memref<10240x128xf32, #tpu.memory_space<vmem_shared>>) offsets(%dma_start3A_190 : memref<112xi32, #tpu.memory_space<vmem>>) semaphore(%dma_start3A_195 : memref<!tpu.dma_semaphore, #tpu.memory_space<semaphore_mem>>) {add = true}
      %dma_start3A_196 = arith.constant 1 : i32
      %dma_start3A_197 = arith.constant 1 : i32
      %dma_start3A_198 = arith.constant 0 : i32
      %dma_start3A_199 = tpu.memref_slice %arg9[%rem3A_33, %dma_start3A_196, %dma_start3A_197, %dma_start3A_198] : memref<2x5x2x112xi32, #tpu.memory_space<vmem>> -> memref<1x1x1x112xi32, #tpu.memory_space<vmem>>
      %dma_start3A_200 = tpu.memref_squeeze %dma_start3A_199 : memref<1x1x1x112xi32, #tpu.memory_space<vmem>> -> memref<112xi32, #tpu.memory_space<vmem>>
      %dma_start3A_201 = arith.constant 0 : i32
      %dma_start3A_202 = tpu.memref_slice %arg14[%dma_start3A_201] : memref<10240xf32, #tpu.memory_space<vmem_shared>> -> memref<10240xf32, #tpu.memory_space<vmem_shared>>
      tpu.enqueue_indirect_dma source(%arg12 : memref<112xf32, #tpu.memory_space<vmem>>) target(%dma_start3A_202 : memref<10240xf32, #tpu.memory_space<vmem_shared>>) offsets(%dma_start3A_200 : memref<112xi32, #tpu.memory_space<vmem>>) semaphore(%arg18 : memref<!tpu.dma_semaphore, #tpu.memory_space<semaphore_mem>>) {add = true}
      %dma_start3A_203 = arith.constant 3 : i32
      %dma_start3A_204 = arith.constant 0 : i32
      %dma_start3A_205 = arith.constant 1 : i32
      %dma_start3A_206 = arith.constant 1 : i32
      %dma_start3A_207 = arith.constant 0 : i32
      %dma_start3A_208 = arith.constant 0 : i32
      %dma_start3A_209 = tpu.memref_slice %arg10[%dma_start3A_205, %dma_start3A_207, %dma_start3A_208] : memref<2x112x64xi32, #tpu.memory_space<vmem>> -> memref<1x112x64xi32, #tpu.memory_space<vmem>>
      %dma_start3A_210 = tpu.memref_squeeze %dma_start3A_209 : memref<1x112x64xi32, #tpu.memory_space<vmem>> -> memref<112x64xi32, #tpu.memory_space<vmem>>
      %dma_start3A_211 = arith.constant 0 : i32
      %dma_start3A_212 = tpu.memref_slice %arg9[%rem3A_33, %dma_start3A_203, %dma_start3A_204, %dma_start3A_211] : memref<2x5x2x112xi32, #tpu.memory_space<vmem>> -> memref<1x1x1x112xi32, #tpu.memory_space<vmem>>
      %dma_start3A_213 = tpu.memref_squeeze %dma_start3A_212 : memref<1x1x1x112xi32, #tpu.memory_space<vmem>> -> memref<112xi32, #tpu.memory_space<vmem>>
      %dma_start3A_214 = arith.constant 0 : i32
      %dma_start3A_215 = arith.constant 0 : i32
      %dma_start3A_216 = tpu.memref_slice %arg3[%dma_start3A_214, %dma_start3A_215] : memref<10000x64xi32, #tpu.memory_space<hbm>> -> memref<10000x64xi32, #tpu.memory_space<hbm>>
      %dma_start3A_217 = tpu.memref_slice %arg16[%dma_start3A_206] : memref<2x!tpu.dma_semaphore, #tpu.memory_space<semaphore_mem>> -> memref<1x!tpu.dma_semaphore, #tpu.memory_space<semaphore_mem>>
      %dma_start3A_218 = tpu.memref_squeeze %dma_start3A_217 : memref<1x!tpu.dma_semaphore, #tpu.memory_space<semaphore_mem>> -> memref<!tpu.dma_semaphore, #tpu.memory_space<semaphore_mem>>
      tpu.enqueue_indirect_dma source(%dma_start3A_216 : memref<10000x64xi32, #tpu.memory_space<hbm>>) target(%dma_start3A_210 : memref<112x64xi32, #tpu.memory_space<vmem>>) offsets(%dma_start3A_213 : memref<112xi32, #tpu.memory_space<vmem>>) semaphore(%dma_start3A_218 : memref<!tpu.dma_semaphore, #tpu.memory_space<semaphore_mem>>)
      %dma_wait3A_219 = arith.constant 2 : i32
      %dma_wait3A_220 = arith.constant 0 : i32
      %dma_wait3A_221 = arith.constant 0 : i32
      %dma_wait3A_222 = arith.constant 0 : i32
      %dma_wait3A_223 = arith.constant 0 : i32
      %dma_wait3A_224 = arith.constant 0 : i32
      %dma_wait3A_225 = tpu.memref_slice %arg10[%dma_wait3A_221, %dma_wait3A_223, %dma_wait3A_224] : memref<2x112x64xi32, #tpu.memory_space<vmem>> -> memref<1x112x64xi32, #tpu.memory_space<vmem>>
      %dma_wait3A_226 = tpu.memref_squeeze %dma_wait3A_225 : memref<1x112x64xi32, #tpu.memory_space<vmem>> -> memref<112x64xi32, #tpu.memory_space<vmem>>
      %dma_wait3A_227 = arith.constant 0 : i32
      %dma_wait3A_228 = tpu.memref_slice %arg9[%rem3A_33, %dma_wait3A_219, %dma_wait3A_220, %dma_wait3A_227] : memref<2x5x2x112xi32, #tpu.memory_space<vmem>> -> memref<1x1x1x112xi32, #tpu.memory_space<vmem>>
      %dma_wait3A_229 = tpu.memref_squeeze %dma_wait3A_228 : memref<1x1x1x112xi32, #tpu.memory_space<vmem>> -> memref<112xi32, #tpu.memory_space<vmem>>
      %dma_wait3A_230 = arith.constant 0 : i32
      %dma_wait3A_231 = arith.constant 0 : i32
      %dma_wait3A_232 = tpu.memref_slice %arg3[%dma_wait3A_230, %dma_wait3A_231] : memref<10000x64xi32, #tpu.memory_space<hbm>> -> memref<10000x64xi32, #tpu.memory_space<hbm>>
      %dma_wait3A_233 = tpu.memref_slice %arg16[%dma_wait3A_222] : memref<2x!tpu.dma_semaphore, #tpu.memory_space<semaphore_mem>> -> memref<1x!tpu.dma_semaphore, #tpu.memory_space<semaphore_mem>>
      %dma_wait3A_234 = tpu.memref_squeeze %dma_wait3A_233 : memref<1x!tpu.dma_semaphore, #tpu.memory_space<semaphore_mem>> -> memref<!tpu.dma_semaphore, #tpu.memory_space<semaphore_mem>>
      tpu.wait_indirect_dma semaphore(%dma_wait3A_234 : memref<!tpu.dma_semaphore, #tpu.memory_space<semaphore_mem>>) src(%dma_wait3A_232 : memref<10000x64xi32, #tpu.memory_space<hbm>>) dst(%dma_wait3A_226 : memref<112x64xi32, #tpu.memory_space<vmem>>)
      %dma_wait3A_235 = arith.constant 0 : i32
      %dma_wait3A_236 = arith.constant 0 : i32
      %dma_wait3A_237 = arith.constant 1 : i32
      %dma_wait3A_238 = arith.constant 0 : i32
      %dma_wait3A_239 = arith.constant 0 : i32
      %dma_wait3A_240 = arith.constant 0 : i32
      %dma_wait3A_241 = tpu.memref_slice %arg11[%dma_wait3A_235, %dma_wait3A_239, %dma_wait3A_240] : memref<2x112x128xf32, #tpu.memory_space<vmem>> -> memref<1x112x128xf32, #tpu.memory_space<vmem>>
      %dma_wait3A_242 = tpu.memref_squeeze %dma_wait3A_241 : memref<1x112x128xf32, #tpu.memory_space<vmem>> -> memref<112x128xf32, #tpu.memory_space<vmem>>
      %dma_wait3A_243 = arith.constant 0 : i32
      %dma_wait3A_244 = tpu.memref_slice %arg9[%rem3A_33, %dma_wait3A_236, %dma_wait3A_237, %dma_wait3A_243] : memref<2x5x2x112xi32, #tpu.memory_space<vmem>> -> memref<1x1x1x112xi32, #tpu.memory_space<vmem>>
      %dma_wait3A_245 = tpu.memref_squeeze %dma_wait3A_244 : memref<1x1x1x112xi32, #tpu.memory_space<vmem>> -> memref<112xi32, #tpu.memory_space<vmem>>
      %dma_wait3A_246 = arith.constant 0 : i32
      %dma_wait3A_247 = arith.constant 0 : i32
      %dma_wait3A_248 = tpu.memref_slice %arg13[%dma_wait3A_246, %dma_wait3A_247] : memref<10240x128xf32, #tpu.memory_space<vmem_shared>> -> memref<10240x128xf32, #tpu.memory_space<vmem_shared>>
      %dma_wait3A_249 = tpu.memref_slice %arg17[%dma_wait3A_238] : memref<2x!tpu.dma_semaphore, #tpu.memory_space<semaphore_mem>> -> memref<1x!tpu.dma_semaphore, #tpu.memory_space<semaphore_mem>>
      %dma_wait3A_250 = tpu.memref_squeeze %dma_wait3A_249 : memref<1x!tpu.dma_semaphore, #tpu.memory_space<semaphore_mem>> -> memref<!tpu.dma_semaphore, #tpu.memory_space<semaphore_mem>>
      tpu.wait_indirect_dma semaphore(%dma_wait3A_250 : memref<!tpu.dma_semaphore, #tpu.memory_space<semaphore_mem>>) src(%dma_wait3A_242 : memref<112x128xf32, #tpu.memory_space<vmem>>) dst(%dma_wait3A_248 : memref<10240x128xf32, #tpu.memory_space<vmem_shared>>)
      %broadcast_in_dim3A_251 = arith.constant 16 : i32
      %broadcast_in_dim3A_252 = vector.broadcast %broadcast_in_dim3A_251 : i32 to vector<16xi32>
      %broadcast_in_dim3A_253 = arith.constant -65536 : i32
      %broadcast_in_dim3A_254 = vector.broadcast %broadcast_in_dim3A_253 : i32 to vector<16xi32>
      %scan3A_255 = arith.constant 0 : i32
      %scan3A_256 = arith.constant 0 : i32
      %scan3A_257 = arith.constant 112 : i32
      %scan3A_258 = arith.addi %scan3A_256, %scan3A_257 : i32
      %scan3A_259 = arith.constant 1 : i32
      scf.for %scan3A_497 = %scan3A_256 to %scan3A_258 step %scan3A_259  : i32 {
        %get3A = arith.constant 0 : i32
        %get3A_498 = arith.index_cast %get3A : i32 to index
        %get3A_499 = arith.index_cast %scan3A_497 : i32 to index
        %get3A_500 = arith.constant 0 : index
        %get3A_501 = tpu.vector_load %arg10[%get3A_498, %get3A_499, %get3A_500] {strides = array<i32>} : memref<2x112x64xi32, #tpu.memory_space<vmem>>, vector<1x1x16xi32>,
        %get3A_502 = vector.shape_cast %get3A_501 : vector<1x1x16xi32> to vector<16xi32>
        %shift_left3A = arith.shli %get3A_502, %broadcast_in_dim3A_252 : vector<16xi32>
        %bitcast_convert_type3A = tpu.bitcast %shift_left3A : vector<16xi32> -> vector<16xf32>
        %and3A = arith.andi %get3A_502, %broadcast_in_dim3A_254 : vector<16xi32>
        %bitcast_convert_type3A_503 = tpu.bitcast %and3A : vector<16xi32> -> vector<16xf32>
        %swap3A = arith.constant 0 : i32
        %swap3A_504 = arith.index_cast %swap3A : i32 to index
        %swap3A_505 = arith.index_cast %scan3A_497 : i32 to index
        %swap3A_506 = arith.constant 0 : index
        %swap3A_507 = tpu.vector_load %arg11[%swap3A_504, %swap3A_505, %swap3A_506] {strides = array<i32>} : memref<2x112x128xf32, #tpu.memory_space<vmem>>, vector<1x1x16xf32>,
        %swap3A_508 = vector.shape_cast %swap3A_507 : vector<1x1x16xf32> to vector<16xf32>
        %swap3A_509 = vector.shape_cast %bitcast_convert_type3A : vector<16xf32> to vector<1x1x16xf32>
        tpu.vector_store %arg11[%swap3A_504, %swap3A_505, %swap3A_506], %swap3A_509 {strides = array<i32>} : memref<2x112x128xf32, #tpu.memory_space<vmem>>, vector<1x1x16xf32>,
        %swap3A_510 = arith.constant 0 : i32
        %swap3A_511 = arith.index_cast %swap3A_510 : i32 to index
        %swap3A_512 = arith.index_cast %scan3A_497 : i32 to index
        %swap3A_513 = arith.constant 16 : index
        %swap3A_514 = tpu.vector_load %arg11[%swap3A_511, %swap3A_512, %swap3A_513] {strides = array<i32>} : memref<2x112x128xf32, #tpu.memory_space<vmem>>, vector<1x1x16xf32>,
        %swap3A_515 = vector.shape_cast %swap3A_514 : vector<1x1x16xf32> to vector<16xf32>
        %swap3A_516 = vector.shape_cast %bitcast_convert_type3A_503 : vector<16xf32> to vector<1x1x16xf32>
        tpu.vector_store %arg11[%swap3A_511, %swap3A_512, %swap3A_513], %swap3A_516 {strides = array<i32>} : memref<2x112x128xf32, #tpu.memory_space<vmem>>, vector<1x1x16xf32>,
        %get3A_517 = arith.constant 0 : i32
        %get3A_518 = arith.index_cast %get3A_517 : i32 to index
        %get3A_519 = arith.index_cast %scan3A_497 : i32 to index
        %get3A_520 = arith.constant 16 : index
        %get3A_521 = tpu.vector_load %arg10[%get3A_518, %get3A_519, %get3A_520] {strides = array<i32>} : memref<2x112x64xi32, #tpu.memory_space<vmem>>, vector<1x1x16xi32>,
        %get3A_522 = vector.shape_cast %get3A_521 : vector<1x1x16xi32> to vector<16xi32>
        %shift_left3A_523 = arith.shli %get3A_522, %broadcast_in_dim3A_252 : vector<16xi32>
        %bitcast_convert_type3A_524 = tpu.bitcast %shift_left3A_523 : vector<16xi32> -> vector<16xf32>
        %and3A_525 = arith.andi %get3A_522, %broadcast_in_dim3A_254 : vector<16xi32>
        %bitcast_convert_type3A_526 = tpu.bitcast %and3A_525 : vector<16xi32> -> vector<16xf32>
        %swap3A_527 = arith.constant 0 : i32
        %swap3A_528 = arith.index_cast %swap3A_527 : i32 to index
        %swap3A_529 = arith.index_cast %scan3A_497 : i32 to index
        %swap3A_530 = arith.constant 32 : index
        %swap3A_531 = tpu.vector_load %arg11[%swap3A_528, %swap3A_529, %swap3A_530] {strides = array<i32>} : memref<2x112x128xf32, #tpu.memory_space<vmem>>, vector<1x1x16xf32>,
        %swap3A_532 = vector.shape_cast %swap3A_531 : vector<1x1x16xf32> to vector<16xf32>
        %swap3A_533 = vector.shape_cast %bitcast_convert_type3A_524 : vector<16xf32> to vector<1x1x16xf32>
        tpu.vector_store %arg11[%swap3A_528, %swap3A_529, %swap3A_530], %swap3A_533 {strides = array<i32>} : memref<2x112x128xf32, #tpu.memory_space<vmem>>, vector<1x1x16xf32>,
        %swap3A_534 = arith.constant 0 : i32
        %swap3A_535 = arith.index_cast %swap3A_534 : i32 to index
        %swap3A_536 = arith.index_cast %scan3A_497 : i32 to index
        %swap3A_537 = arith.constant 48 : index
        %swap3A_538 = tpu.vector_load %arg11[%swap3A_535, %swap3A_536, %swap3A_537] {strides = array<i32>} : memref<2x112x128xf32, #tpu.memory_space<vmem>>, vector<1x1x16xf32>,
        %swap3A_539 = vector.shape_cast %swap3A_538 : vector<1x1x16xf32> to vector<16xf32>
        %swap3A_540 = vector.shape_cast %bitcast_convert_type3A_526 : vector<16xf32> to vector<1x1x16xf32>
        tpu.vector_store %arg11[%swap3A_535, %swap3A_536, %swap3A_537], %swap3A_540 {strides = array<i32>} : memref<2x112x128xf32, #tpu.memory_space<vmem>>, vector<1x1x16xf32>,
        %get3A_541 = arith.constant 0 : i32
        %get3A_542 = arith.index_cast %get3A_541 : i32 to index
        %get3A_543 = arith.index_cast %scan3A_497 : i32 to index
        %get3A_544 = arith.constant 32 : index
        %get3A_545 = tpu.vector_load %arg10[%get3A_542, %get3A_543, %get3A_544] {strides = array<i32>} : memref<2x112x64xi32, #tpu.memory_space<vmem>>, vector<1x1x16xi32>,
        %get3A_546 = vector.shape_cast %get3A_545 : vector<1x1x16xi32> to vector<16xi32>
        %shift_left3A_547 = arith.shli %get3A_546, %broadcast_in_dim3A_252 : vector<16xi32>
        %bitcast_convert_type3A_548 = tpu.bitcast %shift_left3A_547 : vector<16xi32> -> vector<16xf32>
        %and3A_549 = arith.andi %get3A_546, %broadcast_in_dim3A_254 : vector<16xi32>
        %bitcast_convert_type3A_550 = tpu.bitcast %and3A_549 : vector<16xi32> -> vector<16xf32>
        %swap3A_551 = arith.constant 0 : i32
        %swap3A_552 = arith.index_cast %swap3A_551 : i32 to index
        %swap3A_553 = arith.index_cast %scan3A_497 : i32 to index
        %swap3A_554 = arith.constant 64 : index
        %swap3A_555 = tpu.vector_load %arg11[%swap3A_552, %swap3A_553, %swap3A_554] {strides = array<i32>} : memref<2x112x128xf32, #tpu.memory_space<vmem>>, vector<1x1x16xf32>,
        %swap3A_556 = vector.shape_cast %swap3A_555 : vector<1x1x16xf32> to vector<16xf32>
        %swap3A_557 = vector.shape_cast %bitcast_convert_type3A_548 : vector<16xf32> to vector<1x1x16xf32>
        tpu.vector_store %arg11[%swap3A_552, %swap3A_553, %swap3A_554], %swap3A_557 {strides = array<i32>} : memref<2x112x128xf32, #tpu.memory_space<vmem>>, vector<1x1x16xf32>,
        %swap3A_558 = arith.constant 0 : i32
        %swap3A_559 = arith.index_cast %swap3A_558 : i32 to index
        %swap3A_560 = arith.index_cast %scan3A_497 : i32 to index
        %swap3A_561 = arith.constant 80 : index
        %swap3A_562 = tpu.vector_load %arg11[%swap3A_559, %swap3A_560, %swap3A_561] {strides = array<i32>} : memref<2x112x128xf32, #tpu.memory_space<vmem>>, vector<1x1x16xf32>,
        %swap3A_563 = vector.shape_cast %swap3A_562 : vector<1x1x16xf32> to vector<16xf32>
        %swap3A_564 = vector.shape_cast %bitcast_convert_type3A_550 : vector<16xf32> to vector<1x1x16xf32>
        tpu.vector_store %arg11[%swap3A_559, %swap3A_560, %swap3A_561], %swap3A_564 {strides = array<i32>} : memref<2x112x128xf32, #tpu.memory_space<vmem>>, vector<1x1x16xf32>,
        %get3A_565 = arith.constant 0 : i32
        %get3A_566 = arith.index_cast %get3A_565 : i32 to index
        %get3A_567 = arith.index_cast %scan3A_497 : i32 to index
        %get3A_568 = arith.constant 48 : index
        %get3A_569 = tpu.vector_load %arg10[%get3A_566, %get3A_567, %get3A_568] {strides = array<i32>} : memref<2x112x64xi32, #tpu.memory_space<vmem>>, vector<1x1x16xi32>,
        %get3A_570 = vector.shape_cast %get3A_569 : vector<1x1x16xi32> to vector<16xi32>
        %shift_left3A_571 = arith.shli %get3A_570, %broadcast_in_dim3A_252 : vector<16xi32>
        %bitcast_convert_type3A_572 = tpu.bitcast %shift_left3A_571 : vector<16xi32> -> vector<16xf32>
        %and3A_573 = arith.andi %get3A_570, %broadcast_in_dim3A_254 : vector<16xi32>
        %bitcast_convert_type3A_574 = tpu.bitcast %and3A_573 : vector<16xi32> -> vector<16xf32>
        %swap3A_575 = arith.constant 0 : i32
        %swap3A_576 = arith.index_cast %swap3A_575 : i32 to index
        %swap3A_577 = arith.index_cast %scan3A_497 : i32 to index
        %swap3A_578 = arith.constant 96 : index
        %swap3A_579 = tpu.vector_load %arg11[%swap3A_576, %swap3A_577, %swap3A_578] {strides = array<i32>} : memref<2x112x128xf32, #tpu.memory_space<vmem>>, vector<1x1x16xf32>,
        %swap3A_580 = vector.shape_cast %swap3A_579 : vector<1x1x16xf32> to vector<16xf32>
        %swap3A_581 = vector.shape_cast %bitcast_convert_type3A_572 : vector<16xf32> to vector<1x1x16xf32>
        tpu.vector_store %arg11[%swap3A_576, %swap3A_577, %swap3A_578], %swap3A_581 {strides = array<i32>} : memref<2x112x128xf32, #tpu.memory_space<vmem>>, vector<1x1x16xf32>,
        %swap3A_582 = arith.constant 0 : i32
        %swap3A_583 = arith.index_cast %swap3A_582 : i32 to index
        %swap3A_584 = arith.index_cast %scan3A_497 : i32 to index
        %swap3A_585 = arith.constant 112 : index
        %swap3A_586 = tpu.vector_load %arg11[%swap3A_583, %swap3A_584, %swap3A_585] {strides = array<i32>} : memref<2x112x128xf32, #tpu.memory_space<vmem>>, vector<1x1x16xf32>,
        %swap3A_587 = vector.shape_cast %swap3A_586 : vector<1x1x16xf32> to vector<16xf32>
        %swap3A_588 = vector.shape_cast %bitcast_convert_type3A_574 : vector<16xf32> to vector<1x1x16xf32>
        tpu.vector_store %arg11[%swap3A_583, %swap3A_584, %swap3A_585], %swap3A_588 {strides = array<i32>} : memref<2x112x128xf32, #tpu.memory_space<vmem>>, vector<1x1x16xf32>,
      }
      %scan3A_260 = arith.constant 112 : i32
      %dma_start3A_261 = arith.constant 0 : i32
      %dma_start3A_262 = arith.constant 2 : i32
      %dma_start3A_263 = arith.constant 1 : i32
      %dma_start3A_264 = arith.constant 0 : i32
      %dma_start3A_265 = arith.constant 0 : i32
      %dma_start3A_266 = arith.constant 0 : i32
      %dma_start3A_267 = tpu.memref_slice %arg11[%dma_start3A_261, %dma_start3A_265, %dma_start3A_266] : memref<2x112x128xf32, #tpu.memory_space<vmem>> -> memref<1x112x128xf32, #tpu.memory_space<vmem>>
      %dma_start3A_268 = tpu.memref_squeeze %dma_start3A_267 : memref<1x112x128xf32, #tpu.memory_space<vmem>> -> memref<112x128xf32, #tpu.memory_space<vmem>>
      %dma_start3A_269 = arith.constant 0 : i32
      %dma_start3A_270 = tpu.memref_slice %arg9[%rem3A_33, %dma_start3A_262, %dma_start3A_263, %dma_start3A_269] : memref<2x5x2x112xi32, #tpu.memory_space<vmem>> -> memref<1x1x1x112xi32, #tpu.memory_space<vmem>>
      %dma_start3A_271 = tpu.memref_squeeze %dma_start3A_270 : memref<1x1x1x112xi32, #tpu.memory_space<vmem>> -> memref<112xi32, #tpu.memory_space<vmem>>
      %dma_start3A_272 = arith.constant 0 : i32
      %dma_start3A_273 = arith.constant 0 : i32
      %dma_start3A_274 = tpu.memref_slice %arg13[%dma_start3A_272, %dma_start3A_273] : memref<10240x128xf32, #tpu.memory_space<vmem_shared>> -> memref<10240x128xf32, #tpu.memory_space<vmem_shared>>
      %dma_start3A_275 = tpu.memref_slice %arg17[%dma_start3A_264] : memref<2x!tpu.dma_semaphore, #tpu.memory_space<semaphore_mem>> -> memref<1x!tpu.dma_semaphore, #tpu.memory_space<semaphore_mem>>
      %dma_start3A_276 = tpu.memref_squeeze %dma_start3A_275 : memref<1x!tpu.dma_semaphore, #tpu.memory_space<semaphore_mem>> -> memref<!tpu.dma_semaphore, #tpu.memory_space<semaphore_mem>>
      tpu.enqueue_indirect_dma source(%dma_start3A_268 : memref<112x128xf32, #tpu.memory_space<vmem>>) target(%dma_start3A_274 : memref<10240x128xf32, #tpu.memory_space<vmem_shared>>) offsets(%dma_start3A_271 : memref<112xi32, #tpu.memory_space<vmem>>) semaphore(%dma_start3A_276 : memref<!tpu.dma_semaphore, #tpu.memory_space<semaphore_mem>>) {add = true}
      %dma_start3A_277 = arith.constant 2 : i32
      %dma_start3A_278 = arith.constant 1 : i32
      %dma_start3A_279 = arith.constant 0 : i32
      %dma_start3A_280 = tpu.memref_slice %arg9[%rem3A_33, %dma_start3A_277, %dma_start3A_278, %dma_start3A_279] : memref<2x5x2x112xi32, #tpu.memory_space<vmem>> -> memref<1x1x1x112xi32, #tpu.memory_space<vmem>>
      %dma_start3A_281 = tpu.memref_squeeze %dma_start3A_280 : memref<1x1x1x112xi32, #tpu.memory_space<vmem>> -> memref<112xi32, #tpu.memory_space<vmem>>
      %dma_start3A_282 = arith.constant 0 : i32
      %dma_start3A_283 = tpu.memref_slice %arg14[%dma_start3A_282] : memref<10240xf32, #tpu.memory_space<vmem_shared>> -> memref<10240xf32, #tpu.memory_space<vmem_shared>>
      tpu.enqueue_indirect_dma source(%arg12 : memref<112xf32, #tpu.memory_space<vmem>>) target(%dma_start3A_283 : memref<10240xf32, #tpu.memory_space<vmem_shared>>) offsets(%dma_start3A_281 : memref<112xi32, #tpu.memory_space<vmem>>) semaphore(%arg18 : memref<!tpu.dma_semaphore, #tpu.memory_space<semaphore_mem>>) {add = true}
      %dma_start3A_284 = arith.constant 4 : i32
      %dma_start3A_285 = arith.constant 0 : i32
      %dma_start3A_286 = arith.constant 0 : i32
      %dma_start3A_287 = arith.constant 0 : i32
      %dma_start3A_288 = arith.constant 0 : i32
      %dma_start3A_289 = arith.constant 0 : i32
      %dma_start3A_290 = tpu.memref_slice %arg10[%dma_start3A_286, %dma_start3A_288, %dma_start3A_289] : memref<2x112x64xi32, #tpu.memory_space<vmem>> -> memref<1x112x64xi32, #tpu.memory_space<vmem>>
      %dma_start3A_291 = tpu.memref_squeeze %dma_start3A_290 : memref<1x112x64xi32, #tpu.memory_space<vmem>> -> memref<112x64xi32, #tpu.memory_space<vmem>>
      %dma_start3A_292 = arith.constant 0 : i32
      %dma_start3A_293 = tpu.memref_slice %arg9[%rem3A_33, %dma_start3A_284, %dma_start3A_285, %dma_start3A_292] : memref<2x5x2x112xi32, #tpu.memory_space<vmem>> -> memref<1x1x1x112xi32, #tpu.memory_space<vmem>>
      %dma_start3A_294 = tpu.memref_squeeze %dma_start3A_293 : memref<1x1x1x112xi32, #tpu.memory_space<vmem>> -> memref<112xi32, #tpu.memory_space<vmem>>
      %dma_start3A_295 = arith.constant 0 : i32
      %dma_start3A_296 = arith.constant 0 : i32
      %dma_start3A_297 = tpu.memref_slice %arg3[%dma_start3A_295, %dma_start3A_296] : memref<10000x64xi32, #tpu.memory_space<hbm>> -> memref<10000x64xi32, #tpu.memory_space<hbm>>
      %dma_start3A_298 = tpu.memref_slice %arg16[%dma_start3A_287] : memref<2x!tpu.dma_semaphore, #tpu.memory_space<semaphore_mem>> -> memref<1x!tpu.dma_semaphore, #tpu.memory_space<semaphore_mem>>
      %dma_start3A_299 = tpu.memref_squeeze %dma_start3A_298 : memref<1x!tpu.dma_semaphore, #tpu.memory_space<semaphore_mem>> -> memref<!tpu.dma_semaphore, #tpu.memory_space<semaphore_mem>>
      tpu.enqueue_indirect_dma source(%dma_start3A_297 : memref<10000x64xi32, #tpu.memory_space<hbm>>) target(%dma_start3A_291 : memref<112x64xi32, #tpu.memory_space<vmem>>) offsets(%dma_start3A_294 : memref<112xi32, #tpu.memory_space<vmem>>) semaphore(%dma_start3A_299 : memref<!tpu.dma_semaphore, #tpu.memory_space<semaphore_mem>>)
      %dma_wait3A_300 = arith.constant 3 : i32
      %dma_wait3A_301 = arith.constant 0 : i32
      %dma_wait3A_302 = arith.constant 1 : i32
      %dma_wait3A_303 = arith.constant 1 : i32
      %dma_wait3A_304 = arith.constant 0 : i32
      %dma_wait3A_305 = arith.constant 0 : i32
      %dma_wait3A_306 = tpu.memref_slice %arg10[%dma_wait3A_302, %dma_wait3A_304, %dma_wait3A_305] : memref<2x112x64xi32, #tpu.memory_space<vmem>> -> memref<1x112x64xi32, #tpu.memory_space<vmem>>
      %dma_wait3A_307 = tpu.memref_squeeze %dma_wait3A_306 : memref<1x112x64xi32, #tpu.memory_space<vmem>> -> memref<112x64xi32, #tpu.memory_space<vmem>>
      %dma_wait3A_308 = arith.constant 0 : i32
      %dma_wait3A_309 = tpu.memref_slice %arg9[%rem3A_33, %dma_wait3A_300, %dma_wait3A_301, %dma_wait3A_308] : memref<2x5x2x112xi32, #tpu.memory_space<vmem>> -> memref<1x1x1x112xi32, #tpu.memory_space<vmem>>
      %dma_wait3A_310 = tpu.memref_squeeze %dma_wait3A_309 : memref<1x1x1x112xi32, #tpu.memory_space<vmem>> -> memref<112xi32, #tpu.memory_space<vmem>>
      %dma_wait3A_311 = arith.constant 0 : i32
      %dma_wait3A_312 = arith.constant 0 : i32
      %dma_wait3A_313 = tpu.memref_slice %arg3[%dma_wait3A_311, %dma_wait3A_312] : memref<10000x64xi32, #tpu.memory_space<hbm>> -> memref<10000x64xi32, #tpu.memory_space<hbm>>
      %dma_wait3A_314 = tpu.memref_slice %arg16[%dma_wait3A_303] : memref<2x!tpu.dma_semaphore, #tpu.memory_space<semaphore_mem>> -> memref<1x!tpu.dma_semaphore, #tpu.memory_space<semaphore_mem>>
      %dma_wait3A_315 = tpu.memref_squeeze %dma_wait3A_314 : memref<1x!tpu.dma_semaphore, #tpu.memory_space<semaphore_mem>> -> memref<!tpu.dma_semaphore, #tpu.memory_space<semaphore_mem>>
      tpu.wait_indirect_dma semaphore(%dma_wait3A_315 : memref<!tpu.dma_semaphore, #tpu.memory_space<semaphore_mem>>) src(%dma_wait3A_313 : memref<10000x64xi32, #tpu.memory_space<hbm>>) dst(%dma_wait3A_307 : memref<112x64xi32, #tpu.memory_space<vmem>>)
      %dma_wait3A_316 = arith.constant 1 : i32
      %dma_wait3A_317 = arith.constant 1 : i32
      %dma_wait3A_318 = arith.constant 1 : i32
      %dma_wait3A_319 = arith.constant 1 : i32
      %dma_wait3A_320 = arith.constant 0 : i32
      %dma_wait3A_321 = arith.constant 0 : i32
      %dma_wait3A_322 = tpu.memref_slice %arg11[%dma_wait3A_316, %dma_wait3A_320, %dma_wait3A_321] : memref<2x112x128xf32, #tpu.memory_space<vmem>> -> memref<1x112x128xf32, #tpu.memory_space<vmem>>
      %dma_wait3A_323 = tpu.memref_squeeze %dma_wait3A_322 : memref<1x112x128xf32, #tpu.memory_space<vmem>> -> memref<112x128xf32, #tpu.memory_space<vmem>>
      %dma_wait3A_324 = arith.constant 0 : i32
      %dma_wait3A_325 = tpu.memref_slice %arg9[%rem3A_33, %dma_wait3A_317, %dma_wait3A_318, %dma_wait3A_324] : memref<2x5x2x112xi32, #tpu.memory_space<vmem>> -> memref<1x1x1x112xi32, #tpu.memory_space<vmem>>
      %dma_wait3A_326 = tpu.memref_squeeze %dma_wait3A_325 : memref<1x1x1x112xi32, #tpu.memory_space<vmem>> -> memref<112xi32, #tpu.memory_space<vmem>>
      %dma_wait3A_327 = arith.constant 0 : i32
      %dma_wait3A_328 = arith.constant 0 : i32
      %dma_wait3A_329 = tpu.memref_slice %arg13[%dma_wait3A_327, %dma_wait3A_328] : memref<10240x128xf32, #tpu.memory_space<vmem_shared>> -> memref<10240x128xf32, #tpu.memory_space<vmem_shared>>
      %dma_wait3A_330 = tpu.memref_slice %arg17[%dma_wait3A_319] : memref<2x!tpu.dma_semaphore, #tpu.memory_space<semaphore_mem>> -> memref<1x!tpu.dma_semaphore, #tpu.memory_space<semaphore_mem>>
      %dma_wait3A_331 = tpu.memref_squeeze %dma_wait3A_330 : memref<1x!tpu.dma_semaphore, #tpu.memory_space<semaphore_mem>> -> memref<!tpu.dma_semaphore, #tpu.memory_space<semaphore_mem>>
      tpu.wait_indirect_dma semaphore(%dma_wait3A_331 : memref<!tpu.dma_semaphore, #tpu.memory_space<semaphore_mem>>) src(%dma_wait3A_323 : memref<112x128xf32, #tpu.memory_space<vmem>>) dst(%dma_wait3A_329 : memref<10240x128xf32, #tpu.memory_space<vmem_shared>>)
      %broadcast_in_dim3A_332 = arith.constant 16 : i32
      %broadcast_in_dim3A_333 = vector.broadcast %broadcast_in_dim3A_332 : i32 to vector<16xi32>
      %broadcast_in_dim3A_334 = arith.constant -65536 : i32
      %broadcast_in_dim3A_335 = vector.broadcast %broadcast_in_dim3A_334 : i32 to vector<16xi32>
      %scan3A_336 = arith.constant 0 : i32
      %scan3A_337 = arith.constant 0 : i32
      %scan3A_338 = arith.constant 112 : i32
      %scan3A_339 = arith.addi %scan3A_337, %scan3A_338 : i32
      %scan3A_340 = arith.constant 1 : i32
      scf.for %scan3A_497 = %scan3A_337 to %scan3A_339 step %scan3A_340  : i32 {
        %get3A = arith.constant 1 : i32
        %get3A_498 = arith.index_cast %get3A : i32 to index
        %get3A_499 = arith.index_cast %scan3A_497 : i32 to index
        %get3A_500 = arith.constant 0 : index
        %get3A_501 = tpu.vector_load %arg10[%get3A_498, %get3A_499, %get3A_500] {strides = array<i32>} : memref<2x112x64xi32, #tpu.memory_space<vmem>>, vector<1x1x16xi32>,
        %get3A_502 = vector.shape_cast %get3A_501 : vector<1x1x16xi32> to vector<16xi32>
        %shift_left3A = arith.shli %get3A_502, %broadcast_in_dim3A_333 : vector<16xi32>
        %bitcast_convert_type3A = tpu.bitcast %shift_left3A : vector<16xi32> -> vector<16xf32>
        %and3A = arith.andi %get3A_502, %broadcast_in_dim3A_335 : vector<16xi32>
        %bitcast_convert_type3A_503 = tpu.bitcast %and3A : vector<16xi32> -> vector<16xf32>
        %swap3A = arith.constant 1 : i32
        %swap3A_504 = arith.index_cast %swap3A : i32 to index
        %swap3A_505 = arith.index_cast %scan3A_497 : i32 to index
        %swap3A_506 = arith.constant 0 : index
        %swap3A_507 = tpu.vector_load %arg11[%swap3A_504, %swap3A_505, %swap3A_506] {strides = array<i32>} : memref<2x112x128xf32, #tpu.memory_space<vmem>>, vector<1x1x16xf32>,
        %swap3A_508 = vector.shape_cast %swap3A_507 : vector<1x1x16xf32> to vector<16xf32>
        %swap3A_509 = vector.shape_cast %bitcast_convert_type3A : vector<16xf32> to vector<1x1x16xf32>
        tpu.vector_store %arg11[%swap3A_504, %swap3A_505, %swap3A_506], %swap3A_509 {strides = array<i32>} : memref<2x112x128xf32, #tpu.memory_space<vmem>>, vector<1x1x16xf32>,
        %swap3A_510 = arith.constant 1 : i32
        %swap3A_511 = arith.index_cast %swap3A_510 : i32 to index
        %swap3A_512 = arith.index_cast %scan3A_497 : i32 to index
        %swap3A_513 = arith.constant 16 : index
        %swap3A_514 = tpu.vector_load %arg11[%swap3A_511, %swap3A_512, %swap3A_513] {strides = array<i32>} : memref<2x112x128xf32, #tpu.memory_space<vmem>>, vector<1x1x16xf32>,
        %swap3A_515 = vector.shape_cast %swap3A_514 : vector<1x1x16xf32> to vector<16xf32>
        %swap3A_516 = vector.shape_cast %bitcast_convert_type3A_503 : vector<16xf32> to vector<1x1x16xf32>
        tpu.vector_store %arg11[%swap3A_511, %swap3A_512, %swap3A_513], %swap3A_516 {strides = array<i32>} : memref<2x112x128xf32, #tpu.memory_space<vmem>>, vector<1x1x16xf32>,
        %get3A_517 = arith.constant 1 : i32
        %get3A_518 = arith.index_cast %get3A_517 : i32 to index
        %get3A_519 = arith.index_cast %scan3A_497 : i32 to index
        %get3A_520 = arith.constant 16 : index
        %get3A_521 = tpu.vector_load %arg10[%get3A_518, %get3A_519, %get3A_520] {strides = array<i32>} : memref<2x112x64xi32, #tpu.memory_space<vmem>>, vector<1x1x16xi32>,
        %get3A_522 = vector.shape_cast %get3A_521 : vector<1x1x16xi32> to vector<16xi32>
        %shift_left3A_523 = arith.shli %get3A_522, %broadcast_in_dim3A_333 : vector<16xi32>
        %bitcast_convert_type3A_524 = tpu.bitcast %shift_left3A_523 : vector<16xi32> -> vector<16xf32>
        %and3A_525 = arith.andi %get3A_522, %broadcast_in_dim3A_335 : vector<16xi32>
        %bitcast_convert_type3A_526 = tpu.bitcast %and3A_525 : vector<16xi32> -> vector<16xf32>
        %swap3A_527 = arith.constant 1 : i32
        %swap3A_528 = arith.index_cast %swap3A_527 : i32 to index
        %swap3A_529 = arith.index_cast %scan3A_497 : i32 to index
        %swap3A_530 = arith.constant 32 : index
        %swap3A_531 = tpu.vector_load %arg11[%swap3A_528, %swap3A_529, %swap3A_530] {strides = array<i32>} : memref<2x112x128xf32, #tpu.memory_space<vmem>>, vector<1x1x16xf32>,
        %swap3A_532 = vector.shape_cast %swap3A_531 : vector<1x1x16xf32> to vector<16xf32>
        %swap3A_533 = vector.shape_cast %bitcast_convert_type3A_524 : vector<16xf32> to vector<1x1x16xf32>
        tpu.vector_store %arg11[%swap3A_528, %swap3A_529, %swap3A_530], %swap3A_533 {strides = array<i32>} : memref<2x112x128xf32, #tpu.memory_space<vmem>>, vector<1x1x16xf32>,
        %swap3A_534 = arith.constant 1 : i32
        %swap3A_535 = arith.index_cast %swap3A_534 : i32 to index
        %swap3A_536 = arith.index_cast %scan3A_497 : i32 to index
        %swap3A_537 = arith.constant 48 : index
        %swap3A_538 = tpu.vector_load %arg11[%swap3A_535, %swap3A_536, %swap3A_537] {strides = array<i32>} : memref<2x112x128xf32, #tpu.memory_space<vmem>>, vector<1x1x16xf32>,
        %swap3A_539 = vector.shape_cast %swap3A_538 : vector<1x1x16xf32> to vector<16xf32>
        %swap3A_540 = vector.shape_cast %bitcast_convert_type3A_526 : vector<16xf32> to vector<1x1x16xf32>
        tpu.vector_store %arg11[%swap3A_535, %swap3A_536, %swap3A_537], %swap3A_540 {strides = array<i32>} : memref<2x112x128xf32, #tpu.memory_space<vmem>>, vector<1x1x16xf32>,
        %get3A_541 = arith.constant 1 : i32
        %get3A_542 = arith.index_cast %get3A_541 : i32 to index
        %get3A_543 = arith.index_cast %scan3A_497 : i32 to index
        %get3A_544 = arith.constant 32 : index
        %get3A_545 = tpu.vector_load %arg10[%get3A_542, %get3A_543, %get3A_544] {strides = array<i32>} : memref<2x112x64xi32, #tpu.memory_space<vmem>>, vector<1x1x16xi32>,
        %get3A_546 = vector.shape_cast %get3A_545 : vector<1x1x16xi32> to vector<16xi32>
        %shift_left3A_547 = arith.shli %get3A_546, %broadcast_in_dim3A_333 : vector<16xi32>
        %bitcast_convert_type3A_548 = tpu.bitcast %shift_left3A_547 : vector<16xi32> -> vector<16xf32>
        %and3A_549 = arith.andi %get3A_546, %broadcast_in_dim3A_335 : vector<16xi32>
        %bitcast_convert_type3A_550 = tpu.bitcast %and3A_549 : vector<16xi32> -> vector<16xf32>
        %swap3A_551 = arith.constant 1 : i32
        %swap3A_552 = arith.index_cast %swap3A_551 : i32 to index
        %swap3A_553 = arith.index_cast %scan3A_497 : i32 to index
        %swap3A_554 = arith.constant 64 : index
        %swap3A_555 = tpu.vector_load %arg11[%swap3A_552, %swap3A_553, %swap3A_554] {strides = array<i32>} : memref<2x112x128xf32, #tpu.memory_space<vmem>>, vector<1x1x16xf32>,
        %swap3A_556 = vector.shape_cast %swap3A_555 : vector<1x1x16xf32> to vector<16xf32>
        %swap3A_557 = vector.shape_cast %bitcast_convert_type3A_548 : vector<16xf32> to vector<1x1x16xf32>
        tpu.vector_store %arg11[%swap3A_552, %swap3A_553, %swap3A_554], %swap3A_557 {strides = array<i32>} : memref<2x112x128xf32, #tpu.memory_space<vmem>>, vector<1x1x16xf32>,
        %swap3A_558 = arith.constant 1 : i32
        %swap3A_559 = arith.index_cast %swap3A_558 : i32 to index
        %swap3A_560 = arith.index_cast %scan3A_497 : i32 to index
        %swap3A_561 = arith.constant 80 : index
        %swap3A_562 = tpu.vector_load %arg11[%swap3A_559, %swap3A_560, %swap3A_561] {strides = array<i32>} : memref<2x112x128xf32, #tpu.memory_space<vmem>>, vector<1x1x16xf32>,
        %swap3A_563 = vector.shape_cast %swap3A_562 : vector<1x1x16xf32> to vector<16xf32>
        %swap3A_564 = vector.shape_cast %bitcast_convert_type3A_550 : vector<16xf32> to vector<1x1x16xf32>
        tpu.vector_store %arg11[%swap3A_559, %swap3A_560, %swap3A_561], %swap3A_564 {strides = array<i32>} : memref<2x112x128xf32, #tpu.memory_space<vmem>>, vector<1x1x16xf32>,
        %get3A_565 = arith.constant 1 : i32
        %get3A_566 = arith.index_cast %get3A_565 : i32 to index
        %get3A_567 = arith.index_cast %scan3A_497 : i32 to index
        %get3A_568 = arith.constant 48 : index
        %get3A_569 = tpu.vector_load %arg10[%get3A_566, %get3A_567, %get3A_568] {strides = array<i32>} : memref<2x112x64xi32, #tpu.memory_space<vmem>>, vector<1x1x16xi32>,
        %get3A_570 = vector.shape_cast %get3A_569 : vector<1x1x16xi32> to vector<16xi32>
        %shift_left3A_571 = arith.shli %get3A_570, %broadcast_in_dim3A_333 : vector<16xi32>
        %bitcast_convert_type3A_572 = tpu.bitcast %shift_left3A_571 : vector<16xi32> -> vector<16xf32>
        %and3A_573 = arith.andi %get3A_570, %broadcast_in_dim3A_335 : vector<16xi32>
        %bitcast_convert_type3A_574 = tpu.bitcast %and3A_573 : vector<16xi32> -> vector<16xf32>
        %swap3A_575 = arith.constant 1 : i32
        %swap3A_576 = arith.index_cast %swap3A_575 : i32 to index
        %swap3A_577 = arith.index_cast %scan3A_497 : i32 to index
        %swap3A_578 = arith.constant 96 : index
        %swap3A_579 = tpu.vector_load %arg11[%swap3A_576, %swap3A_577, %swap3A_578] {strides = array<i32>} : memref<2x112x128xf32, #tpu.memory_space<vmem>>, vector<1x1x16xf32>,
        %swap3A_580 = vector.shape_cast %swap3A_579 : vector<1x1x16xf32> to vector<16xf32>
        %swap3A_581 = vector.shape_cast %bitcast_convert_type3A_572 : vector<16xf32> to vector<1x1x16xf32>
        tpu.vector_store %arg11[%swap3A_576, %swap3A_577, %swap3A_578], %swap3A_581 {strides = array<i32>} : memref<2x112x128xf32, #tpu.memory_space<vmem>>, vector<1x1x16xf32>,
        %swap3A_582 = arith.constant 1 : i32
        %swap3A_583 = arith.index_cast %swap3A_582 : i32 to index
        %swap3A_584 = arith.index_cast %scan3A_497 : i32 to index
        %swap3A_585 = arith.constant 112 : index
        %swap3A_586 = tpu.vector_load %arg11[%swap3A_583, %swap3A_584, %swap3A_585] {strides = array<i32>} : memref<2x112x128xf32, #tpu.memory_space<vmem>>, vector<1x1x16xf32>,
        %swap3A_587 = vector.shape_cast %swap3A_586 : vector<1x1x16xf32> to vector<16xf32>
        %swap3A_588 = vector.shape_cast %bitcast_convert_type3A_574 : vector<16xf32> to vector<1x1x16xf32>
        tpu.vector_store %arg11[%swap3A_583, %swap3A_584, %swap3A_585], %swap3A_588 {strides = array<i32>} : memref<2x112x128xf32, #tpu.memory_space<vmem>>, vector<1x1x16xf32>,
      }
      %scan3A_341 = arith.constant 112 : i32
      %dma_start3A_342 = arith.constant 1 : i32
      %dma_start3A_343 = arith.constant 3 : i32
      %dma_start3A_344 = arith.constant 1 : i32
      %dma_start3A_345 = arith.constant 1 : i32
      %dma_start3A_346 = arith.constant 0 : i32
      %dma_start3A_347 = arith.constant 0 : i32
      %dma_start3A_348 = tpu.memref_slice %arg11[%dma_start3A_342, %dma_start3A_346, %dma_start3A_347] : memref<2x112x128xf32, #tpu.memory_space<vmem>> -> memref<1x112x128xf32, #tpu.memory_space<vmem>>
      %dma_start3A_349 = tpu.memref_squeeze %dma_start3A_348 : memref<1x112x128xf32, #tpu.memory_space<vmem>> -> memref<112x128xf32, #tpu.memory_space<vmem>>
      %dma_start3A_350 = arith.constant 0 : i32
      %dma_start3A_351 = tpu.memref_slice %arg9[%rem3A_33, %dma_start3A_343, %dma_start3A_344, %dma_start3A_350] : memref<2x5x2x112xi32, #tpu.memory_space<vmem>> -> memref<1x1x1x112xi32, #tpu.memory_space<vmem>>
      %dma_start3A_352 = tpu.memref_squeeze %dma_start3A_351 : memref<1x1x1x112xi32, #tpu.memory_space<vmem>> -> memref<112xi32, #tpu.memory_space<vmem>>
      %dma_start3A_353 = arith.constant 0 : i32
      %dma_start3A_354 = arith.constant 0 : i32
      %dma_start3A_355 = tpu.memref_slice %arg13[%dma_start3A_353, %dma_start3A_354] : memref<10240x128xf32, #tpu.memory_space<vmem_shared>> -> memref<10240x128xf32, #tpu.memory_space<vmem_shared>>
      %dma_start3A_356 = tpu.memref_slice %arg17[%dma_start3A_345] : memref<2x!tpu.dma_semaphore, #tpu.memory_space<semaphore_mem>> -> memref<1x!tpu.dma_semaphore, #tpu.memory_space<semaphore_mem>>
      %dma_start3A_357 = tpu.memref_squeeze %dma_start3A_356 : memref<1x!tpu.dma_semaphore, #tpu.memory_space<semaphore_mem>> -> memref<!tpu.dma_semaphore, #tpu.memory_space<semaphore_mem>>
      tpu.enqueue_indirect_dma source(%dma_start3A_349 : memref<112x128xf32, #tpu.memory_space<vmem>>) target(%dma_start3A_355 : memref<10240x128xf32, #tpu.memory_space<vmem_shared>>) offsets(%dma_start3A_352 : memref<112xi32, #tpu.memory_space<vmem>>) semaphore(%dma_start3A_357 : memref<!tpu.dma_semaphore, #tpu.memory_space<semaphore_mem>>) {add = true}
      %dma_start3A_358 = arith.constant 3 : i32
      %dma_start3A_359 = arith.constant 1 : i32
      %dma_start3A_360 = arith.constant 0 : i32
      %dma_start3A_361 = tpu.memref_slice %arg9[%rem3A_33, %dma_start3A_358, %dma_start3A_359, %dma_start3A_360] : memref<2x5x2x112xi32, #tpu.memory_space<vmem>> -> memref<1x1x1x112xi32, #tpu.memory_space<vmem>>
      %dma_start3A_362 = tpu.memref_squeeze %dma_start3A_361 : memref<1x1x1x112xi32, #tpu.memory_space<vmem>> -> memref<112xi32, #tpu.memory_space<vmem>>
      %dma_start3A_363 = arith.constant 0 : i32
      %dma_start3A_364 = tpu.memref_slice %arg14[%dma_start3A_363] : memref<10240xf32, #tpu.memory_space<vmem_shared>> -> memref<10240xf32, #tpu.memory_space<vmem_shared>>
      tpu.enqueue_indirect_dma source(%arg12 : memref<112xf32, #tpu.memory_space<vmem>>) target(%dma_start3A_364 : memref<10240xf32, #tpu.memory_space<vmem_shared>>) offsets(%dma_start3A_362 : memref<112xi32, #tpu.memory_space<vmem>>) semaphore(%arg18 : memref<!tpu.dma_semaphore, #tpu.memory_space<semaphore_mem>>) {add = true}
      %dma_wait3A_365 = arith.constant 4 : i32
      %dma_wait3A_366 = arith.constant 0 : i32
      %dma_wait3A_367 = arith.constant 0 : i32
      %dma_wait3A_368 = arith.constant 0 : i32
      %dma_wait3A_369 = arith.constant 0 : i32
      %dma_wait3A_370 = arith.constant 0 : i32
      %dma_wait3A_371 = tpu.memref_slice %arg10[%dma_wait3A_367, %dma_wait3A_369, %dma_wait3A_370] : memref<2x112x64xi32, #tpu.memory_space<vmem>> -> memref<1x112x64xi32, #tpu.memory_space<vmem>>
      %dma_wait3A_372 = tpu.memref_squeeze %dma_wait3A_371 : memref<1x112x64xi32, #tpu.memory_space<vmem>> -> memref<112x64xi32, #tpu.memory_space<vmem>>
      %dma_wait3A_373 = arith.constant 0 : i32
      %dma_wait3A_374 = tpu.memref_slice %arg9[%rem3A_33, %dma_wait3A_365, %dma_wait3A_366, %dma_wait3A_373] : memref<2x5x2x112xi32, #tpu.memory_space<vmem>> -> memref<1x1x1x112xi32, #tpu.memory_space<vmem>>
      %dma_wait3A_375 = tpu.memref_squeeze %dma_wait3A_374 : memref<1x1x1x112xi32, #tpu.memory_space<vmem>> -> memref<112xi32, #tpu.memory_space<vmem>>
      %dma_wait3A_376 = arith.constant 0 : i32
      %dma_wait3A_377 = arith.constant 0 : i32
      %dma_wait3A_378 = tpu.memref_slice %arg3[%dma_wait3A_376, %dma_wait3A_377] : memref<10000x64xi32, #tpu.memory_space<hbm>> -> memref<10000x64xi32, #tpu.memory_space<hbm>>
      %dma_wait3A_379 = tpu.memref_slice %arg16[%dma_wait3A_368] : memref<2x!tpu.dma_semaphore, #tpu.memory_space<semaphore_mem>> -> memref<1x!tpu.dma_semaphore, #tpu.memory_space<semaphore_mem>>
      %dma_wait3A_380 = tpu.memref_squeeze %dma_wait3A_379 : memref<1x!tpu.dma_semaphore, #tpu.memory_space<semaphore_mem>> -> memref<!tpu.dma_semaphore, #tpu.memory_space<semaphore_mem>>
      tpu.wait_indirect_dma semaphore(%dma_wait3A_380 : memref<!tpu.dma_semaphore, #tpu.memory_space<semaphore_mem>>) src(%dma_wait3A_378 : memref<10000x64xi32, #tpu.memory_space<hbm>>) dst(%dma_wait3A_372 : memref<112x64xi32, #tpu.memory_space<vmem>>)
      %dma_wait3A_381 = arith.constant 0 : i32
      %dma_wait3A_382 = arith.constant 2 : i32
      %dma_wait3A_383 = arith.constant 1 : i32
      %dma_wait3A_384 = arith.constant 0 : i32
      %dma_wait3A_385 = arith.constant 0 : i32
      %dma_wait3A_386 = arith.constant 0 : i32
      %dma_wait3A_387 = tpu.memref_slice %arg11[%dma_wait3A_381, %dma_wait3A_385, %dma_wait3A_386] : memref<2x112x128xf32, #tpu.memory_space<vmem>> -> memref<1x112x128xf32, #tpu.memory_space<vmem>>
      %dma_wait3A_388 = tpu.memref_squeeze %dma_wait3A_387 : memref<1x112x128xf32, #tpu.memory_space<vmem>> -> memref<112x128xf32, #tpu.memory_space<vmem>>
      %dma_wait3A_389 = arith.constant 0 : i32
      %dma_wait3A_390 = tpu.memref_slice %arg9[%rem3A_33, %dma_wait3A_382, %dma_wait3A_383, %dma_wait3A_389] : memref<2x5x2x112xi32, #tpu.memory_space<vmem>> -> memref<1x1x1x112xi32, #tpu.memory_space<vmem>>
      %dma_wait3A_391 = tpu.memref_squeeze %dma_wait3A_390 : memref<1x1x1x112xi32, #tpu.memory_space<vmem>> -> memref<112xi32, #tpu.memory_space<vmem>>
      %dma_wait3A_392 = arith.constant 0 : i32
      %dma_wait3A_393 = arith.constant 0 : i32
      %dma_wait3A_394 = tpu.memref_slice %arg13[%dma_wait3A_392, %dma_wait3A_393] : memref<10240x128xf32, #tpu.memory_space<vmem_shared>> -> memref<10240x128xf32, #tpu.memory_space<vmem_shared>>
      %dma_wait3A_395 = tpu.memref_slice %arg17[%dma_wait3A_384] : memref<2x!tpu.dma_semaphore, #tpu.memory_space<semaphore_mem>> -> memref<1x!tpu.dma_semaphore, #tpu.memory_space<semaphore_mem>>
      %dma_wait3A_396 = tpu.memref_squeeze %dma_wait3A_395 : memref<1x!tpu.dma_semaphore, #tpu.memory_space<semaphore_mem>> -> memref<!tpu.dma_semaphore, #tpu.memory_space<semaphore_mem>>
      tpu.wait_indirect_dma semaphore(%dma_wait3A_396 : memref<!tpu.dma_semaphore, #tpu.memory_space<semaphore_mem>>) src(%dma_wait3A_388 : memref<112x128xf32, #tpu.memory_space<vmem>>) dst(%dma_wait3A_394 : memref<10240x128xf32, #tpu.memory_space<vmem_shared>>)
      %broadcast_in_dim3A_397 = arith.constant 16 : i32
      %broadcast_in_dim3A_398 = vector.broadcast %broadcast_in_dim3A_397 : i32 to vector<16xi32>
      %broadcast_in_dim3A_399 = arith.constant -65536 : i32
      %broadcast_in_dim3A_400 = vector.broadcast %broadcast_in_dim3A_399 : i32 to vector<16xi32>
      %scan3A_401 = arith.constant 0 : i32
      %scan3A_402 = arith.constant 0 : i32
      %scan3A_403 = arith.constant 112 : i32
      %scan3A_404 = arith.addi %scan3A_402, %scan3A_403 : i32
      %scan3A_405 = arith.constant 1 : i32
      scf.for %scan3A_497 = %scan3A_402 to %scan3A_404 step %scan3A_405  : i32 {
        %get3A = arith.constant 0 : i32
        %get3A_498 = arith.index_cast %get3A : i32 to index
        %get3A_499 = arith.index_cast %scan3A_497 : i32 to index
        %get3A_500 = arith.constant 0 : index
        %get3A_501 = tpu.vector_load %arg10[%get3A_498, %get3A_499, %get3A_500] {strides = array<i32>} : memref<2x112x64xi32, #tpu.memory_space<vmem>>, vector<1x1x16xi32>,
        %get3A_502 = vector.shape_cast %get3A_501 : vector<1x1x16xi32> to vector<16xi32>
        %shift_left3A = arith.shli %get3A_502, %broadcast_in_dim3A_398 : vector<16xi32>
        %bitcast_convert_type3A = tpu.bitcast %shift_left3A : vector<16xi32> -> vector<16xf32>
        %and3A = arith.andi %get3A_502, %broadcast_in_dim3A_400 : vector<16xi32>
        %bitcast_convert_type3A_503 = tpu.bitcast %and3A : vector<16xi32> -> vector<16xf32>
        %swap3A = arith.constant 0 : i32
        %swap3A_504 = arith.index_cast %swap3A : i32 to index
        %swap3A_505 = arith.index_cast %scan3A_497 : i32 to index
        %swap3A_506 = arith.constant 0 : index
        %swap3A_507 = tpu.vector_load %arg11[%swap3A_504, %swap3A_505, %swap3A_506] {strides = array<i32>} : memref<2x112x128xf32, #tpu.memory_space<vmem>>, vector<1x1x16xf32>,
        %swap3A_508 = vector.shape_cast %swap3A_507 : vector<1x1x16xf32> to vector<16xf32>
        %swap3A_509 = vector.shape_cast %bitcast_convert_type3A : vector<16xf32> to vector<1x1x16xf32>
        tpu.vector_store %arg11[%swap3A_504, %swap3A_505, %swap3A_506], %swap3A_509 {strides = array<i32>} : memref<2x112x128xf32, #tpu.memory_space<vmem>>, vector<1x1x16xf32>,
        %swap3A_510 = arith.constant 0 : i32
        %swap3A_511 = arith.index_cast %swap3A_510 : i32 to index
        %swap3A_512 = arith.index_cast %scan3A_497 : i32 to index
        %swap3A_513 = arith.constant 16 : index
        %swap3A_514 = tpu.vector_load %arg11[%swap3A_511, %swap3A_512, %swap3A_513] {strides = array<i32>} : memref<2x112x128xf32, #tpu.memory_space<vmem>>, vector<1x1x16xf32>,
        %swap3A_515 = vector.shape_cast %swap3A_514 : vector<1x1x16xf32> to vector<16xf32>
        %swap3A_516 = vector.shape_cast %bitcast_convert_type3A_503 : vector<16xf32> to vector<1x1x16xf32>
        tpu.vector_store %arg11[%swap3A_511, %swap3A_512, %swap3A_513], %swap3A_516 {strides = array<i32>} : memref<2x112x128xf32, #tpu.memory_space<vmem>>, vector<1x1x16xf32>,
        %get3A_517 = arith.constant 0 : i32
        %get3A_518 = arith.index_cast %get3A_517 : i32 to index
        %get3A_519 = arith.index_cast %scan3A_497 : i32 to index
        %get3A_520 = arith.constant 16 : index
        %get3A_521 = tpu.vector_load %arg10[%get3A_518, %get3A_519, %get3A_520] {strides = array<i32>} : memref<2x112x64xi32, #tpu.memory_space<vmem>>, vector<1x1x16xi32>,
        %get3A_522 = vector.shape_cast %get3A_521 : vector<1x1x16xi32> to vector<16xi32>
        %shift_left3A_523 = arith.shli %get3A_522, %broadcast_in_dim3A_398 : vector<16xi32>
        %bitcast_convert_type3A_524 = tpu.bitcast %shift_left3A_523 : vector<16xi32> -> vector<16xf32>
        %and3A_525 = arith.andi %get3A_522, %broadcast_in_dim3A_400 : vector<16xi32>
        %bitcast_convert_type3A_526 = tpu.bitcast %and3A_525 : vector<16xi32> -> vector<16xf32>
        %swap3A_527 = arith.constant 0 : i32
        %swap3A_528 = arith.index_cast %swap3A_527 : i32 to index
        %swap3A_529 = arith.index_cast %scan3A_497 : i32 to index
        %swap3A_530 = arith.constant 32 : index
        %swap3A_531 = tpu.vector_load %arg11[%swap3A_528, %swap3A_529, %swap3A_530] {strides = array<i32>} : memref<2x112x128xf32, #tpu.memory_space<vmem>>, vector<1x1x16xf32>,
        %swap3A_532 = vector.shape_cast %swap3A_531 : vector<1x1x16xf32> to vector<16xf32>
        %swap3A_533 = vector.shape_cast %bitcast_convert_type3A_524 : vector<16xf32> to vector<1x1x16xf32>
        tpu.vector_store %arg11[%swap3A_528, %swap3A_529, %swap3A_530], %swap3A_533 {strides = array<i32>} : memref<2x112x128xf32, #tpu.memory_space<vmem>>, vector<1x1x16xf32>,
        %swap3A_534 = arith.constant 0 : i32
        %swap3A_535 = arith.index_cast %swap3A_534 : i32 to index
        %swap3A_536 = arith.index_cast %scan3A_497 : i32 to index
        %swap3A_537 = arith.constant 48 : index
        %swap3A_538 = tpu.vector_load %arg11[%swap3A_535, %swap3A_536, %swap3A_537] {strides = array<i32>} : memref<2x112x128xf32, #tpu.memory_space<vmem>>, vector<1x1x16xf32>,
        %swap3A_539 = vector.shape_cast %swap3A_538 : vector<1x1x16xf32> to vector<16xf32>
        %swap3A_540 = vector.shape_cast %bitcast_convert_type3A_526 : vector<16xf32> to vector<1x1x16xf32>
        tpu.vector_store %arg11[%swap3A_535, %swap3A_536, %swap3A_537], %swap3A_540 {strides = array<i32>} : memref<2x112x128xf32, #tpu.memory_space<vmem>>, vector<1x1x16xf32>,
        %get3A_541 = arith.constant 0 : i32
        %get3A_542 = arith.index_cast %get3A_541 : i32 to index
        %get3A_543 = arith.index_cast %scan3A_497 : i32 to index
        %get3A_544 = arith.constant 32 : index
        %get3A_545 = tpu.vector_load %arg10[%get3A_542, %get3A_543, %get3A_544] {strides = array<i32>} : memref<2x112x64xi32, #tpu.memory_space<vmem>>, vector<1x1x16xi32>,
        %get3A_546 = vector.shape_cast %get3A_545 : vector<1x1x16xi32> to vector<16xi32>
        %shift_left3A_547 = arith.shli %get3A_546, %broadcast_in_dim3A_398 : vector<16xi32>
        %bitcast_convert_type3A_548 = tpu.bitcast %shift_left3A_547 : vector<16xi32> -> vector<16xf32>
        %and3A_549 = arith.andi %get3A_546, %broadcast_in_dim3A_400 : vector<16xi32>
        %bitcast_convert_type3A_550 = tpu.bitcast %and3A_549 : vector<16xi32> -> vector<16xf32>
        %swap3A_551 = arith.constant 0 : i32
        %swap3A_552 = arith.index_cast %swap3A_551 : i32 to index
        %swap3A_553 = arith.index_cast %scan3A_497 : i32 to index
        %swap3A_554 = arith.constant 64 : index
        %swap3A_555 = tpu.vector_load %arg11[%swap3A_552, %swap3A_553, %swap3A_554] {strides = array<i32>} : memref<2x112x128xf32, #tpu.memory_space<vmem>>, vector<1x1x16xf32>,
        %swap3A_556 = vector.shape_cast %swap3A_555 : vector<1x1x16xf32> to vector<16xf32>
        %swap3A_557 = vector.shape_cast %bitcast_convert_type3A_548 : vector<16xf32> to vector<1x1x16xf32>
        tpu.vector_store %arg11[%swap3A_552, %swap3A_553, %swap3A_554], %swap3A_557 {strides = array<i32>} : memref<2x112x128xf32, #tpu.memory_space<vmem>>, vector<1x1x16xf32>,
        %swap3A_558 = arith.constant 0 : i32
        %swap3A_559 = arith.index_cast %swap3A_558 : i32 to index
        %swap3A_560 = arith.index_cast %scan3A_497 : i32 to index
        %swap3A_561 = arith.constant 80 : index
        %swap3A_562 = tpu.vector_load %arg11[%swap3A_559, %swap3A_560, %swap3A_561] {strides = array<i32>} : memref<2x112x128xf32, #tpu.memory_space<vmem>>, vector<1x1x16xf32>,
        %swap3A_563 = vector.shape_cast %swap3A_562 : vector<1x1x16xf32> to vector<16xf32>
        %swap3A_564 = vector.shape_cast %bitcast_convert_type3A_550 : vector<16xf32> to vector<1x1x16xf32>
        tpu.vector_store %arg11[%swap3A_559, %swap3A_560, %swap3A_561], %swap3A_564 {strides = array<i32>} : memref<2x112x128xf32, #tpu.memory_space<vmem>>, vector<1x1x16xf32>,
        %get3A_565 = arith.constant 0 : i32
        %get3A_566 = arith.index_cast %get3A_565 : i32 to index
        %get3A_567 = arith.index_cast %scan3A_497 : i32 to index
        %get3A_568 = arith.constant 48 : index
        %get3A_569 = tpu.vector_load %arg10[%get3A_566, %get3A_567, %get3A_568] {strides = array<i32>} : memref<2x112x64xi32, #tpu.memory_space<vmem>>, vector<1x1x16xi32>,
        %get3A_570 = vector.shape_cast %get3A_569 : vector<1x1x16xi32> to vector<16xi32>
        %shift_left3A_571 = arith.shli %get3A_570, %broadcast_in_dim3A_398 : vector<16xi32>
        %bitcast_convert_type3A_572 = tpu.bitcast %shift_left3A_571 : vector<16xi32> -> vector<16xf32>
        %and3A_573 = arith.andi %get3A_570, %broadcast_in_dim3A_400 : vector<16xi32>
        %bitcast_convert_type3A_574 = tpu.bitcast %and3A_573 : vector<16xi32> -> vector<16xf32>
        %swap3A_575 = arith.constant 0 : i32
        %swap3A_576 = arith.index_cast %swap3A_575 : i32 to index
        %swap3A_577 = arith.index_cast %scan3A_497 : i32 to index
        %swap3A_578 = arith.constant 96 : index
        %swap3A_579 = tpu.vector_load %arg11[%swap3A_576, %swap3A_577, %swap3A_578] {strides = array<i32>} : memref<2x112x128xf32, #tpu.memory_space<vmem>>, vector<1x1x16xf32>,
        %swap3A_580 = vector.shape_cast %swap3A_579 : vector<1x1x16xf32> to vector<16xf32>
        %swap3A_581 = vector.shape_cast %bitcast_convert_type3A_572 : vector<16xf32> to vector<1x1x16xf32>
        tpu.vector_store %arg11[%swap3A_576, %swap3A_577, %swap3A_578], %swap3A_581 {strides = array<i32>} : memref<2x112x128xf32, #tpu.memory_space<vmem>>, vector<1x1x16xf32>,
        %swap3A_582 = arith.constant 0 : i32
        %swap3A_583 = arith.index_cast %swap3A_582 : i32 to index
        %swap3A_584 = arith.index_cast %scan3A_497 : i32 to index
        %swap3A_585 = arith.constant 112 : index
        %swap3A_586 = tpu.vector_load %arg11[%swap3A_583, %swap3A_584, %swap3A_585] {strides = array<i32>} : memref<2x112x128xf32, #tpu.memory_space<vmem>>, vector<1x1x16xf32>,
        %swap3A_587 = vector.shape_cast %swap3A_586 : vector<1x1x16xf32> to vector<16xf32>
        %swap3A_588 = vector.shape_cast %bitcast_convert_type3A_574 : vector<16xf32> to vector<1x1x16xf32>
        tpu.vector_store %arg11[%swap3A_583, %swap3A_584, %swap3A_585], %swap3A_588 {strides = array<i32>} : memref<2x112x128xf32, #tpu.memory_space<vmem>>, vector<1x1x16xf32>,
      }
      %scan3A_406 = arith.constant 112 : i32
      %dma_start3A_407 = arith.constant 0 : i32
      %dma_start3A_408 = arith.constant 4 : i32
      %dma_start3A_409 = arith.constant 1 : i32
      %dma_start3A_410 = arith.constant 0 : i32
      %dma_start3A_411 = arith.constant 0 : i32
      %dma_start3A_412 = arith.constant 0 : i32
      %dma_start3A_413 = tpu.memref_slice %arg11[%dma_start3A_407, %dma_start3A_411, %dma_start3A_412] : memref<2x112x128xf32, #tpu.memory_space<vmem>> -> memref<1x112x128xf32, #tpu.memory_space<vmem>>
      %dma_start3A_414 = tpu.memref_squeeze %dma_start3A_413 : memref<1x112x128xf32, #tpu.memory_space<vmem>> -> memref<112x128xf32, #tpu.memory_space<vmem>>
      %dma_start3A_415 = arith.constant 0 : i32
      %dma_start3A_416 = tpu.memref_slice %arg9[%rem3A_33, %dma_start3A_408, %dma_start3A_409, %dma_start3A_415] : memref<2x5x2x112xi32, #tpu.memory_space<vmem>> -> memref<1x1x1x112xi32, #tpu.memory_space<vmem>>
      %dma_start3A_417 = tpu.memref_squeeze %dma_start3A_416 : memref<1x1x1x112xi32, #tpu.memory_space<vmem>> -> memref<112xi32, #tpu.memory_space<vmem>>
      %dma_start3A_418 = arith.constant 0 : i32
      %dma_start3A_419 = arith.constant 0 : i32
      %dma_start3A_420 = tpu.memref_slice %arg13[%dma_start3A_418, %dma_start3A_419] : memref<10240x128xf32, #tpu.memory_space<vmem_shared>> -> memref<10240x128xf32, #tpu.memory_space<vmem_shared>>
      %dma_start3A_421 = tpu.memref_slice %arg17[%dma_start3A_410] : memref<2x!tpu.dma_semaphore, #tpu.memory_space<semaphore_mem>> -> memref<1x!tpu.dma_semaphore, #tpu.memory_space<semaphore_mem>>
      %dma_start3A_422 = tpu.memref_squeeze %dma_start3A_421 : memref<1x!tpu.dma_semaphore, #tpu.memory_space<semaphore_mem>> -> memref<!tpu.dma_semaphore, #tpu.memory_space<semaphore_mem>>
      tpu.enqueue_indirect_dma source(%dma_start3A_414 : memref<112x128xf32, #tpu.memory_space<vmem>>) target(%dma_start3A_420 : memref<10240x128xf32, #tpu.memory_space<vmem_shared>>) offsets(%dma_start3A_417 : memref<112xi32, #tpu.memory_space<vmem>>) semaphore(%dma_start3A_422 : memref<!tpu.dma_semaphore, #tpu.memory_space<semaphore_mem>>) {add = true}
      %dma_start3A_423 = arith.constant 4 : i32
      %dma_start3A_424 = arith.constant 1 : i32
      %dma_start3A_425 = arith.constant 0 : i32
      %dma_start3A_426 = tpu.memref_slice %arg9[%rem3A_33, %dma_start3A_423, %dma_start3A_424, %dma_start3A_425] : memref<2x5x2x112xi32, #tpu.memory_space<vmem>> -> memref<1x1x1x112xi32, #tpu.memory_space<vmem>>
      %dma_start3A_427 = tpu.memref_squeeze %dma_start3A_426 : memref<1x1x1x112xi32, #tpu.memory_space<vmem>> -> memref<112xi32, #tpu.memory_space<vmem>>
      %dma_start3A_428 = arith.constant 0 : i32
      %dma_start3A_429 = tpu.memref_slice %arg14[%dma_start3A_428] : memref<10240xf32, #tpu.memory_space<vmem_shared>> -> memref<10240xf32, #tpu.memory_space<vmem_shared>>
      tpu.enqueue_indirect_dma source(%arg12 : memref<112xf32, #tpu.memory_space<vmem>>) target(%dma_start3A_429 : memref<10240xf32, #tpu.memory_space<vmem_shared>>) offsets(%dma_start3A_427 : memref<112xi32, #tpu.memory_space<vmem>>) semaphore(%arg18 : memref<!tpu.dma_semaphore, #tpu.memory_space<semaphore_mem>>) {add = true}
      %dma_wait3A_430 = arith.constant 1 : i32
      %dma_wait3A_431 = arith.constant 3 : i32
      %dma_wait3A_432 = arith.constant 1 : i32
      %dma_wait3A_433 = arith.constant 1 : i32
      %dma_wait3A_434 = arith.constant 0 : i32
      %dma_wait3A_435 = arith.constant 0 : i32
      %dma_wait3A_436 = tpu.memref_slice %arg11[%dma_wait3A_430, %dma_wait3A_434, %dma_wait3A_435] : memref<2x112x128xf32, #tpu.memory_space<vmem>> -> memref<1x112x128xf32, #tpu.memory_space<vmem>>
      %dma_wait3A_437 = tpu.memref_squeeze %dma_wait3A_436 : memref<1x112x128xf32, #tpu.memory_space<vmem>> -> memref<112x128xf32, #tpu.memory_space<vmem>>
      %dma_wait3A_438 = arith.constant 0 : i32
      %dma_wait3A_439 = tpu.memref_slice %arg9[%rem3A_33, %dma_wait3A_431, %dma_wait3A_432, %dma_wait3A_438] : memref<2x5x2x112xi32, #tpu.memory_space<vmem>> -> memref<1x1x1x112xi32, #tpu.memory_space<vmem>>
      %dma_wait3A_440 = tpu.memref_squeeze %dma_wait3A_439 : memref<1x1x1x112xi32, #tpu.memory_space<vmem>> -> memref<112xi32, #tpu.memory_space<vmem>>
      %dma_wait3A_441 = arith.constant 0 : i32
      %dma_wait3A_442 = arith.constant 0 : i32
      %dma_wait3A_443 = tpu.memref_slice %arg13[%dma_wait3A_441, %dma_wait3A_442] : memref<10240x128xf32, #tpu.memory_space<vmem_shared>> -> memref<10240x128xf32, #tpu.memory_space<vmem_shared>>
      %dma_wait3A_444 = tpu.memref_slice %arg17[%dma_wait3A_433] : memref<2x!tpu.dma_semaphore, #tpu.memory_space<semaphore_mem>> -> memref<1x!tpu.dma_semaphore, #tpu.memory_space<semaphore_mem>>
      %dma_wait3A_445 = tpu.memref_squeeze %dma_wait3A_444 : memref<1x!tpu.dma_semaphore, #tpu.memory_space<semaphore_mem>> -> memref<!tpu.dma_semaphore, #tpu.memory_space<semaphore_mem>>
      tpu.wait_indirect_dma semaphore(%dma_wait3A_445 : memref<!tpu.dma_semaphore, #tpu.memory_space<semaphore_mem>>) src(%dma_wait3A_437 : memref<112x128xf32, #tpu.memory_space<vmem>>) dst(%dma_wait3A_443 : memref<10240x128xf32, #tpu.memory_space<vmem_shared>>)
      %dma_wait3A_446 = arith.constant 0 : i32
      %dma_wait3A_447 = arith.constant 4 : i32
      %dma_wait3A_448 = arith.constant 1 : i32
      %dma_wait3A_449 = arith.constant 0 : i32
      %dma_wait3A_450 = arith.constant 0 : i32
      %dma_wait3A_451 = arith.constant 0 : i32
      %dma_wait3A_452 = tpu.memref_slice %arg11[%dma_wait3A_446, %dma_wait3A_450, %dma_wait3A_451] : memref<2x112x128xf32, #tpu.memory_space<vmem>> -> memref<1x112x128xf32, #tpu.memory_space<vmem>>
      %dma_wait3A_453 = tpu.memref_squeeze %dma_wait3A_452 : memref<1x112x128xf32, #tpu.memory_space<vmem>> -> memref<112x128xf32, #tpu.memory_space<vmem>>
      %dma_wait3A_454 = arith.constant 0 : i32
      %dma_wait3A_455 = tpu.memref_slice %arg9[%rem3A_33, %dma_wait3A_447, %dma_wait3A_448, %dma_wait3A_454] : memref<2x5x2x112xi32, #tpu.memory_space<vmem>> -> memref<1x1x1x112xi32, #tpu.memory_space<vmem>>
      %dma_wait3A_456 = tpu.memref_squeeze %dma_wait3A_455 : memref<1x1x1x112xi32, #tpu.memory_space<vmem>> -> memref<112xi32, #tpu.memory_space<vmem>>
      %dma_wait3A_457 = arith.constant 0 : i32
      %dma_wait3A_458 = arith.constant 0 : i32
      %dma_wait3A_459 = tpu.memref_slice %arg13[%dma_wait3A_457, %dma_wait3A_458] : memref<10240x128xf32, #tpu.memory_space<vmem_shared>> -> memref<10240x128xf32, #tpu.memory_space<vmem_shared>>
      %dma_wait3A_460 = tpu.memref_slice %arg17[%dma_wait3A_449] : memref<2x!tpu.dma_semaphore, #tpu.memory_space<semaphore_mem>> -> memref<1x!tpu.dma_semaphore, #tpu.memory_space<semaphore_mem>>
      %dma_wait3A_461 = tpu.memref_squeeze %dma_wait3A_460 : memref<1x!tpu.dma_semaphore, #tpu.memory_space<semaphore_mem>> -> memref<!tpu.dma_semaphore, #tpu.memory_space<semaphore_mem>>
      tpu.wait_indirect_dma semaphore(%dma_wait3A_461 : memref<!tpu.dma_semaphore, #tpu.memory_space<semaphore_mem>>) src(%dma_wait3A_453 : memref<112x128xf32, #tpu.memory_space<vmem>>) dst(%dma_wait3A_459 : memref<10240x128xf32, #tpu.memory_space<vmem_shared>>)
      %dma_wait3A_462 = arith.constant 0 : i32
      %dma_wait3A_463 = arith.constant 1 : i32
      %dma_wait3A_464 = arith.constant 0 : i32
      %dma_wait3A_465 = tpu.memref_slice %arg9[%rem3A_33, %dma_wait3A_462, %dma_wait3A_463, %dma_wait3A_464] : memref<2x5x2x112xi32, #tpu.memory_space<vmem>> -> memref<1x1x1x112xi32, #tpu.memory_space<vmem>>
      %dma_wait3A_466 = tpu.memref_squeeze %dma_wait3A_465 : memref<1x1x1x112xi32, #tpu.memory_space<vmem>> -> memref<112xi32, #tpu.memory_space<vmem>>
      %dma_wait3A_467 = arith.constant 0 : i32
      %dma_wait3A_468 = tpu.memref_slice %arg14[%dma_wait3A_467] : memref<10240xf32, #tpu.memory_space<vmem_shared>> -> memref<10240xf32, #tpu.memory_space<vmem_shared>>
      tpu.wait_indirect_dma semaphore(%arg18 : memref<!tpu.dma_semaphore, #tpu.memory_space<semaphore_mem>>) src(%arg12 : memref<112xf32, #tpu.memory_space<vmem>>) dst(%dma_wait3A_468 : memref<10240xf32, #tpu.memory_space<vmem_shared>>)
      %dma_wait3A_469 = arith.constant 1 : i32
      %dma_wait3A_470 = arith.constant 1 : i32
      %dma_wait3A_471 = arith.constant 0 : i32
      %dma_wait3A_472 = tpu.memref_slice %arg9[%rem3A_33, %dma_wait3A_469, %dma_wait3A_470, %dma_wait3A_471] : memref<2x5x2x112xi32, #tpu.memory_space<vmem>> -> memref<1x1x1x112xi32, #tpu.memory_space<vmem>>
      %dma_wait3A_473 = tpu.memref_squeeze %dma_wait3A_472 : memref<1x1x1x112xi32, #tpu.memory_space<vmem>> -> memref<112xi32, #tpu.memory_space<vmem>>
      %dma_wait3A_474 = arith.constant 0 : i32
      %dma_wait3A_475 = tpu.memref_slice %arg14[%dma_wait3A_474] : memref<10240xf32, #tpu.memory_space<vmem_shared>> -> memref<10240xf32, #tpu.memory_space<vmem_shared>>
      tpu.wait_indirect_dma semaphore(%arg18 : memref<!tpu.dma_semaphore, #tpu.memory_space<semaphore_mem>>) src(%arg12 : memref<112xf32, #tpu.memory_space<vmem>>) dst(%dma_wait3A_475 : memref<10240xf32, #tpu.memory_space<vmem_shared>>)
      %dma_wait3A_476 = arith.constant 2 : i32
      %dma_wait3A_477 = arith.constant 1 : i32
      %dma_wait3A_478 = arith.constant 0 : i32
      %dma_wait3A_479 = tpu.memref_slice %arg9[%rem3A_33, %dma_wait3A_476, %dma_wait3A_477, %dma_wait3A_478] : memref<2x5x2x112xi32, #tpu.memory_space<vmem>> -> memref<1x1x1x112xi32, #tpu.memory_space<vmem>>
      %dma_wait3A_480 = tpu.memref_squeeze %dma_wait3A_479 : memref<1x1x1x112xi32, #tpu.memory_space<vmem>> -> memref<112xi32, #tpu.memory_space<vmem>>
      %dma_wait3A_481 = arith.constant 0 : i32
      %dma_wait3A_482 = tpu.memref_slice %arg14[%dma_wait3A_481] : memref<10240xf32, #tpu.memory_space<vmem_shared>> -> memref<10240xf32, #tpu.memory_space<vmem_shared>>
      tpu.wait_indirect_dma semaphore(%arg18 : memref<!tpu.dma_semaphore, #tpu.memory_space<semaphore_mem>>) src(%arg12 : memref<112xf32, #tpu.memory_space<vmem>>) dst(%dma_wait3A_482 : memref<10240xf32, #tpu.memory_space<vmem_shared>>)
      %dma_wait3A_483 = arith.constant 3 : i32
      %dma_wait3A_484 = arith.constant 1 : i32
      %dma_wait3A_485 = arith.constant 0 : i32
      %dma_wait3A_486 = tpu.memref_slice %arg9[%rem3A_33, %dma_wait3A_483, %dma_wait3A_484, %dma_wait3A_485] : memref<2x5x2x112xi32, #tpu.memory_space<vmem>> -> memref<1x1x1x112xi32, #tpu.memory_space<vmem>>
      %dma_wait3A_487 = tpu.memref_squeeze %dma_wait3A_486 : memref<1x1x1x112xi32, #tpu.memory_space<vmem>> -> memref<112xi32, #tpu.memory_space<vmem>>
      %dma_wait3A_488 = arith.constant 0 : i32
      %dma_wait3A_489 = tpu.memref_slice %arg14[%dma_wait3A_488] : memref<10240xf32, #tpu.memory_space<vmem_shared>> -> memref<10240xf32, #tpu.memory_space<vmem_shared>>
      tpu.wait_indirect_dma semaphore(%arg18 : memref<!tpu.dma_semaphore, #tpu.memory_space<semaphore_mem>>) src(%arg12 : memref<112xf32, #tpu.memory_space<vmem>>) dst(%dma_wait3A_489 : memref<10240xf32, #tpu.memory_space<vmem_shared>>)
      %dma_wait3A_490 = arith.constant 4 : i32
      %dma_wait3A_491 = arith.constant 1 : i32
      %dma_wait3A_492 = arith.constant 0 : i32
      %dma_wait3A_493 = tpu.memref_slice %arg9[%rem3A_33, %dma_wait3A_490, %dma_wait3A_491, %dma_wait3A_492] : memref<2x5x2x112xi32, #tpu.memory_space<vmem>> -> memref<1x1x1x112xi32, #tpu.memory_space<vmem>>
      %dma_wait3A_494 = tpu.memref_squeeze %dma_wait3A_493 : memref<1x1x1x112xi32, #tpu.memory_space<vmem>> -> memref<112xi32, #tpu.memory_space<vmem>>
      %dma_wait3A_495 = arith.constant 0 : i32
      %dma_wait3A_496 = tpu.memref_slice %arg14[%dma_wait3A_495] : memref<10240xf32, #tpu.memory_space<vmem_shared>> -> memref<10240xf32, #tpu.memory_space<vmem_shared>>
      tpu.wait_indirect_dma semaphore(%arg18 : memref<!tpu.dma_semaphore, #tpu.memory_space<semaphore_mem>>) src(%arg12 : memref<112xf32, #tpu.memory_space<vmem>>) dst(%dma_wait3A_496 : memref<10240xf32, #tpu.memory_space<vmem_shared>>)
    }
    %scan3A_30 = arith.constant 18 : i32
    %barrier3A_31 = arith.constant 0 : index
    tpu.barrier barrier_id(%barrier3A_31)
    "tpu.region"() ({
      %run_scoped3A = tpu.sem_alloc : memref<!tpu.dma_semaphore, #tpu.memory_space<semaphore_mem>>
      %dma_start3A_32 = arith.constant 0 : i32
      %dma_start3A_33 = tpu.memref_slice %arg7[%arg0, %mul3A_2, %dma_start3A_32] : memref<2x10240x128xf32, #tpu.memory_space<hbm>> -> memref<1x640x128xf32, #tpu.memory_space<hbm>>
      %dma_start3A_34 = tpu.memref_squeeze %dma_start3A_33 : memref<1x640x128xf32, #tpu.memory_space<hbm>> -> memref<640x128xf32, #tpu.memory_space<hbm>>
      %dma_start3A_35 = arith.constant 0 : i32
      %dma_start3A_36 = tpu.memref_slice %arg13[%mul3A_2, %dma_start3A_35] : memref<10240x128xf32, #tpu.memory_space<vmem_shared>> -> memref<640x128xf32, #tpu.memory_space<vmem_shared>>
      tpu.enqueue_dma source(%dma_start3A_36 : memref<640x128xf32, #tpu.memory_space<vmem_shared>>) target(%dma_start3A_34 : memref<640x128xf32, #tpu.memory_space<hbm>>) target_semaphore(%run_scoped3A : memref<!tpu.dma_semaphore, #tpu.memory_space<semaphore_mem>>)
      %dma_wait3A = arith.constant 0 : i32
      %dma_wait3A_37 = tpu.memref_slice %arg7[%arg0, %mul3A_2, %dma_wait3A] : memref<2x10240x128xf32, #tpu.memory_space<hbm>> -> memref<1x640x128xf32, #tpu.memory_space<hbm>>
      %dma_wait3A_38 = tpu.memref_squeeze %dma_wait3A_37 : memref<1x640x128xf32, #tpu.memory_space<hbm>> -> memref<640x128xf32, #tpu.memory_space<hbm>>
      %dma_wait3A_39 = arith.constant 0 : i32
      %dma_wait3A_40 = tpu.memref_slice %arg13[%mul3A_2, %dma_wait3A_39] : memref<10240x128xf32, #tpu.memory_space<vmem_shared>> -> memref<640x128xf32, #tpu.memory_space<vmem_shared>>
      tpu.wait_dma2 semaphore(%run_scoped3A : memref<!tpu.dma_semaphore, #tpu.memory_space<semaphore_mem>>) src(%dma_wait3A_40 : memref<640x128xf32, #tpu.memory_space<vmem_shared>>) dst(%dma_wait3A_38 : memref<640x128xf32, #tpu.memory_space<hbm>>)
      tpu.yield
    }) : () -> ()
    "tpu.region"() ({
      %run_scoped3A = tpu.sem_alloc : memref<!tpu.dma_semaphore, #tpu.memory_space<semaphore_mem>>
      %dma_start3A_32 = tpu.memref_slice %arg8[%arg0, %mul3A_2] : memref<2x10240xf32, #tpu.memory_space<hbm>> -> memref<1x640xf32, #tpu.memory_space<hbm>>
      %dma_start3A_33 = tpu.memref_squeeze %dma_start3A_32 : memref<1x640xf32, #tpu.memory_space<hbm>> -> memref<640xf32, #tpu.memory_space<hbm>>
      %dma_start3A_34 = tpu.memref_slice %arg14[%mul3A_2] : memref<10240xf32, #tpu.memory_space<vmem_shared>> -> memref<640xf32, #tpu.memory_space<vmem_shared>>
      tpu.enqueue_dma source(%dma_start3A_34 : memref<640xf32, #tpu.memory_space<vmem_shared>>) target(%dma_start3A_33 : memref<640xf32, #tpu.memory_space<hbm>>) target_semaphore(%run_scoped3A : memref<!tpu.dma_semaphore, #tpu.memory_space<semaphore_mem>>)
      %dma_wait3A = tpu.memref_slice %arg8[%arg0, %mul3A_2] : memref<2x10240xf32, #tpu.memory_space<hbm>> -> memref<1x640xf32, #tpu.memory_space<hbm>>
      %dma_wait3A_35 = tpu.memref_squeeze %dma_wait3A : memref<1x640xf32, #tpu.memory_space<hbm>> -> memref<640xf32, #tpu.memory_space<hbm>>
      %dma_wait3A_36 = tpu.memref_slice %arg14[%mul3A_2] : memref<10240xf32, #tpu.memory_space<vmem_shared>> -> memref<640xf32, #tpu.memory_space<vmem_shared>>
      tpu.wait_dma2 semaphore(%run_scoped3A : memref<!tpu.dma_semaphore, #tpu.memory_space<semaphore_mem>>) src(%dma_wait3A_36 : memref<640xf32, #tpu.memory_space<vmem_shared>>) dst(%dma_wait3A_35 : memref<640xf32, #tpu.memory_space<hbm>>)
      tpu.yield
    }) : () -> ()
    return
  }
}

module attributes {stable_mosaic.version = 14 : i64} {
  func.func @_tc_body(%arg0: i32, %arg1: memref<2000x128xf32, #tpu.memory_space<vmem>>, %arg2: memref<2x2000x128xf32, #tpu.memory_space<vmem>>, %arg3: memref<1x2x2000xf32, #tpu.memory_space<vmem>>, %arg4: memref<256x128xf32, #tpu.memory_space<vmem>>, %arg5: memref<1x128xf32, #tpu.memory_space<vmem>>, %arg6: memref<2000x128xf32, #tpu.memory_space<vmem>>) attributes {dimension_semantics = [#tpu.dimension_semantics<arbitrary>], iteration_bounds = array<i64: 5>, scalar_prefetch = 0 : i64, scratch_operands = 0 : i64, tpu.core_type = #tpu.core_type<tc>, window_params = [{transform_indices = @transform_0, window_bounds = array<i64: 2000, 128>}, {transform_indices = @transform_1, window_bounds = array<i64: 2, 2000, 128>}, {transform_indices = @transform_2, window_bounds = array<i64: 1, 2, 2000>}, {pipeline_mode = #tpu.pipeline_mode<synchronous>, transform_indices = @transform_3, window_bounds = array<i64: 256, 128>}, {pipeline_mode = #tpu.pipeline_mode<synchronous>, transform_indices = @transform_4, window_bounds = array<i64: 1, 128>}, {transform_indices = @transform_5, window_bounds = array<i64: 2000, 128>}]} {
    %get3A = arith.constant 0 : index
    %get3A_0 = arith.constant 0 : index
    %get3A_1 = vector.load %arg1[%get3A, %get3A_0] : memref<2000x128xf32, #tpu.memory_space<vmem>>, vector<2000x128xf32>
    %get3A_2 = arith.constant 0 : index
    %get3A_3 = arith.constant 0 : index
    %get3A_4 = arith.constant 0 : index
    %get3A_5 = vector.load %arg2[%get3A_2, %get3A_3, %get3A_4] : memref<2x2000x128xf32, #tpu.memory_space<vmem>>, vector<1x2000x128xf32>
    %get3A_6 = vector.shape_cast %get3A_5 : vector<1x2000x128xf32> to vector<2000x128xf32>
    %get3A_7 = arith.constant 1 : index
    %get3A_8 = arith.constant 0 : index
    %get3A_9 = arith.constant 0 : index
    %get3A_10 = vector.load %arg2[%get3A_7, %get3A_8, %get3A_9] : memref<2x2000x128xf32, #tpu.memory_space<vmem>>, vector<1x2000x128xf32>
    %get3A_11 = vector.shape_cast %get3A_10 : vector<1x2000x128xf32> to vector<2000x128xf32>
    %add3A = arith.addf %get3A_6, %get3A_11 : vector<2000x128xf32>
    %get3A_12 = arith.constant 0 : index
    %get3A_13 = arith.constant 0 : index
    %get3A_14 = arith.constant 0 : index
    %get3A_15 = vector.load %arg3[%get3A_12, %get3A_13, %get3A_14] : memref<1x2x2000xf32, #tpu.memory_space<vmem>>, vector<1x1x2000xf32>
    %get3A_16 = vector.shape_cast %get3A_15 : vector<1x1x2000xf32> to vector<2000xf32>
    %get3A_17 = arith.constant 0 : index
    %get3A_18 = arith.constant 1 : index
    %get3A_19 = arith.constant 0 : index
    %get3A_20 = vector.load %arg3[%get3A_17, %get3A_18, %get3A_19] : memref<1x2x2000xf32, #tpu.memory_space<vmem>>, vector<1x1x2000xf32>
    %get3A_21 = vector.shape_cast %get3A_20 : vector<1x1x2000xf32> to vector<2000xf32>
    %add3A_22 = arith.addf %get3A_16, %get3A_21 : vector<2000xf32>
    %max3A = arith.constant 1.000000e+00 : f32
    %max3A_23 = vector.broadcast %max3A : f32 to vector<2000xf32>
    %max3A_24 = arith.maximumf %add3A_22, %max3A_23 : vector<2000xf32>
    %broadcast_in_dim3A = vector.shape_cast %max3A_24 : vector<2000xf32> to vector<2000x1xf32>
    %div3A = vector.broadcast %broadcast_in_dim3A : vector<2000x1xf32> to vector<2000x128xf32>
    %div3A_25 = arith.divf %add3A, %div3A : vector<2000x128xf32>
    %get3A_26 = arith.constant 0 : index
    %get3A_27 = arith.constant 0 : index
    %get3A_28 = vector.load %arg4[%get3A_26, %get3A_27] : memref<256x128xf32, #tpu.memory_space<vmem>>, vector<128x128xf32>
    %get3A_29 = arith.constant 128 : index
    %get3A_30 = arith.constant 0 : index
    %get3A_31 = vector.load %arg4[%get3A_29, %get3A_30] : memref<256x128xf32, #tpu.memory_space<vmem>>, vector<128x128xf32>
    %get3A_32 = arith.constant 0 : index
    %get3A_33 = arith.constant 0 : index
    %get3A_34 = vector.load %arg5[%get3A_32, %get3A_33] : memref<1x128xf32, #tpu.memory_space<vmem>>, vector<1x128xf32>
    %get3A_35 = vector.shape_cast %get3A_34 : vector<1x128xf32> to vector<128xf32>
    %dot_general3A = arith.constant dense<0.000000e+00> : vector<2000x128xf32>
    %dot_general3A_36 = tpu.matmul %div3A_25, %get3A_31, %dot_general3A {dimension_numbers = #tpu.dot_dimension_numbers<[1], [0], [0], [1], [0, 0, 1, 1], [], []>, transpose_lhs_hint = false} : vector<2000x128xf32>, vector<128x128xf32>, vector<2000x128xf32> -> vector<2000x128xf32>
    %broadcast_in_dim3A_37 = vector.shape_cast %get3A_35 : vector<128xf32> to vector<1x128xf32>
    %add3A_38 = vector.broadcast %broadcast_in_dim3A_37 : vector<1x128xf32> to vector<2000x128xf32>
    %add3A_39 = arith.addf %dot_general3A_36, %add3A_38 : vector<2000x128xf32>
    %dot_general3A_40 = arith.constant dense<0.000000e+00> : vector<2000x128xf32>
    %dot_general3A_41 = tpu.matmul %get3A_1, %get3A_28, %dot_general3A_40 {dimension_numbers = #tpu.dot_dimension_numbers<[1], [0], [0], [1], [0, 0, 1, 1], [], []>, transpose_lhs_hint = false} : vector<2000x128xf32>, vector<128x128xf32>, vector<2000x128xf32> -> vector<2000x128xf32>
    %add3A_42 = arith.addf %dot_general3A_41, %add3A_39 : vector<2000x128xf32>
    %dot_general3A_43 = arith.constant dense<0.000000e+00> : vector<2000x128xf32>
    %dot_general3A_44 = tpu.matmul %add3A_42, %get3A_28, %dot_general3A_43 {dimension_numbers = #tpu.dot_dimension_numbers<[1], [0], [0], [1], [0, 0, 1, 1], [], []>, transpose_lhs_hint = false} : vector<2000x128xf32>, vector<128x128xf32>, vector<2000x128xf32> -> vector<2000x128xf32>
    %add3A_45 = arith.addf %dot_general3A_44, %add3A_39 : vector<2000x128xf32>
    %max3A_46 = arith.constant 0.000000e+00 : f32
    %max3A_47 = vector.broadcast %max3A_46 : f32 to vector<2000x128xf32>
    %max3A_48 = arith.maximumf %add3A_45, %max3A_47 : vector<2000x128xf32>
    %swap3A = arith.constant 0 : index
    %swap3A_49 = arith.constant 0 : index
    %swap3A_50 = vector.load %arg6[%swap3A, %swap3A_49] : memref<2000x128xf32, #tpu.memory_space<vmem>>, vector<2000x128xf32>
    tpu.vector_store %arg6[%swap3A, %swap3A_49], %max3A_48 {strides = array<i32>} : memref<2000x128xf32, #tpu.memory_space<vmem>>, vector<2000x128xf32>,
    return
  }
  func.func @transform_0(%arg0: i32) -> (i32, i32) {
    %c0_i32 = arith.constant 0 : i32
    %c0_i32_0 = arith.constant 0 : i32
    return %arg0, %c0_i32 : i32, i32
  }
  func.func @transform_1(%arg0: i32) -> (i32, i32, i32) {
    %c0_i32 = arith.constant 0 : i32
    %c0_i32_0 = arith.constant 0 : i32
    %c0_i32_1 = arith.constant 0 : i32
    return %c0_i32, %arg0, %c0_i32_0 : i32, i32, i32
  }
  func.func @transform_2(%arg0: i32) -> (i32, i32, i32) {
    %c0_i32 = arith.constant 0 : i32
    %c0_i32_0 = arith.constant 0 : i32
    %c0_i32_1 = arith.constant 0 : i32
    return %arg0, %c0_i32, %c0_i32_0 : i32, i32, i32
  }
  func.func @transform_3(%arg0: i32) -> (i32, i32) {
    %c0_i32 = arith.constant 0 : i32
    %c0_i32_0 = arith.constant 0 : i32
    %c0_i32_1 = arith.constant 0 : i32
    return %c0_i32, %c0_i32_0 : i32, i32
  }
  func.func @transform_4(%arg0: i32) -> (i32, i32) {
    %c0_i32 = arith.constant 0 : i32
    %c0_i32_0 = arith.constant 0 : i32
    %c0_i32_1 = arith.constant 0 : i32
    return %c0_i32, %c0_i32_0 : i32, i32
  }
  func.func @transform_5(%arg0: i32) -> (i32, i32) {
    %c0_i32 = arith.constant 0 : i32
    %c0_i32_0 = arith.constant 0 : i32
    return %arg0, %c0_i32 : i32, i32
  }
}

</mosaic_0001>

<sc_bundles>
// kernel: kernel.4.cloned.1.call-start
scs
__scs_entry_jumppad:
0x0: {  	(pc) =	sbr.rel $0x88, $3  }
0x1: {  	(tag) =	ssettag $0x0;
	lr =	simm.s32 $0x1  }
0x2: {  	[smem:$0x3F9D] =	sst lr;
	_ =	strace $0xD0000000  }
0x3: {  	_ = 	snop  }
0x4: {  	_ = 	snop  }
0x5: {  	_ = 	snop  }
0x6: {  	_ = 	snop  }
0x7: {  	_ = 	snop  }
__scs_overlays_trampoline_lowered:
0x8: {  	[smem:$0x3FAC] =	sst s0  }
0x9: {  	[smem:$0x3FAD] =	sst s1  }
0xa: {  	[smem:$0x3FAE] =	sst s2  }
0xb: {  	[smem:$0x3FAF] =	sst s3  }
0xc: {  	[smem:$0x3FB0] =	sst s4  }
0xd: {  	[smem:$0x3FB1] =	sst s5  }
0xe: {  	[smem:$0x3FB2] =	sst s6  }
0xf: {  	[smem:$0x3FB3] =	sst s7  }
0x10: {  	[smem:$0x3FB4] =	sst s8  }
0x11: {  	[smem:$0x3FB5] =	sst s9;
	s0 =	simm.s32 @!p0 $0x0  }
0x12: {  	s1 =	sld [smem:$0x3F9B];
	s0 =	simm.s32 @p0 $0x1  }
0x13: {  	[smem:$0x3FB6] =	sst s0;
	s0 =	simm.s32 @!p1 $0x0  }
0x14: {  	s2 =	sld [smem:$0x3F9A];
	s0 =	simm.s32 @p1 $0x1  }
0x15: {  	[smem:$0x3FB7] =	sst s0;
	s0 =	simm.s32 @!p2 $0x0  }
0x16: {  	s3 =	sld [smem:$0x3FDB];
	s0 =	simm.s32 @p2 $0x1  }
0x17: {  	s4 =	simm.s32 $0x1BF5;
	[smem:$0x3FB9] =	sst s0  }
0x18: {  	s0 =	sld [smem:$0x3F9C];
	_ =	swait.ge [sflag:s4], $0x0  }
0x19: {  	s7 =	sld [smem:$0x3F9D]  }
0x1a: {  	s8 =	sadd.s32 $0xFFFFE003, lr  }
0x1b: {  	s9 =	sadd.s32 $0xFFFFFEF7, lr;
	s5 =	simm.s32 $0xFFFFFFFF;
	p2 =	slt.u32 s8, $0xFFFFF086  }
0x1c: {  	p1 =	slt.u32 s9, $0xF7A;
	s5 =	simm.s32 @!p2 $0x0  }
0x1d: {  	s5 =	simm.s32 @p1 $0x1;
	p0 =	seq.s32 s7, s2  }
0x1e: {  	s7 =	smul.u32 @!p0 $0xF7A, s2;
	p2 =	seq.s32 @!p0 s5, $0x0  }
0x1f: {  	s9 =	smul.u32 $0xF7A, s1;
	s8 =	simm.s32 @!p0 $0x1BF5;
	p2 =	por !p2, p0  }
0x20: {  	[sflag:s8] =	ssyncset.s32 @!p0 $0xFFFFF086;
	s6 =	sadd.s32 @!p0 s3, s7;
	s7 =	simm.s32 @!p0 $0x108  }
0x21: {  	s3 =	sadd.s32 s3, s9;
	s6 =	sadd.s32 @!p0 $0x88, s6;
	s7 =	simm.s32 @p2 $0x1082  }
0x22: {  	[simem:s7], [sflag:s8] =	dma.local @!p0 [hbm:s6], $0xF7A  }
0x23: {  	s9 =	sor.u32 $0xD0000000, s2;
	s6 =	simm.s32 $0x108;
	_ =	swait.ge @!p0 [sflag:s8], $0x0  }
0x24: {  	s3 =	sadd.s32 $0x88, s3;
	s6 =	simm.s32 @!p1 $0x1082;
	[sflag:s4] =	ssyncset.s32 $0xFFFFF086  }
0x25: {  	[simem:s6], [sflag:s4] =	dma.local [hbm:s3], $0xF7A  }
0x26: {  	[smem:$0x3F9D] =	sst s1;
	(tag) =	ssettag s2;
	_ =	strace s9  }
0x27: {  	s1 =	sld [smem:$0x3FAD]  }
0x28: {  	s2 =	sld [smem:$0x3FAE]  }
0x29: {  	s4 =	sld [smem:$0x3FB0]  }
0x2a: {  	p0 =	seq.s32 s5, $0x0;
	s5 =	sld [smem:$0x3FB1]  }
0x2b: {  	s6 =	sld [smem:$0x3FB2]  }
0x2c: {  	s7 =	sld [smem:$0x3FB3]  }
0x2d: {  	s3 =	simm.s32 $0x108;
	s8 =	sld [smem:$0x3FB4]  }
0x2e: {  	s3 =	simm.s32 @!p0 $0x1082;
	s9 =	sld [smem:$0x3FB5]  }
0x2f: {  	lr =	sadd.s32 s0, s3;
	s0 =	sld [smem:$0x3FAC]  }
0x30: {  	s3 =	sld [smem:$0x3FAF]  }
0x31: {  	[smem:$0x3FB8] =	sst s10  }
0x32: {  	s10 =	sld [smem:$0x3FB6];
	_ =	sdelay $0x3  }
0x33: {  	p0 =	seq.s32 s10, $0x1;
	s10 =	sld [smem:$0x3FB8];
	_ =	sdelay $0x3  }
0x34: {  	[smem:$0x3FB8] =	sst s10  }
0x35: {  	s10 =	sld [smem:$0x3FB7];
	_ =	sdelay $0x3  }
0x36: {  	p1 =	seq.s32 s10, $0x1;
	s10 =	sld [smem:$0x3FB8];
	_ =	sdelay $0x3  }
0x37: {  	[smem:$0x3FB8] =	sst s10  }
0x38: {  	s10 =	sld [smem:$0x3FB9]  }
0x39: {  	_ = 	snop;
	(pc) =	sbr.ind lr, $3  }
0x3a: {  	_ = 	snop  }
0x3b: {  	_ = 	snop  }
0x3c: {  	p2 =	seq.s32 s10, $0x1;
	s10 =	sld [smem:$0x3FB8]  }
0x3d: {  	_ =	shalt  }
0x3e: {  	_ =	shalt  }
0x3f: {  	_ =	shalt  }
0x40: {  	_ =	shalt  }
0x41: {  	_ =	shalt  }
0x42: {  	_ =	shalt  }
0x43: {  	_ =	shalt  }
0x44: {  	_ =	shalt  }
0x45: {  	_ =	shalt  }
0x46: {  	_ =	shalt  }
0x47: {  	_ =	shalt  }
0x48: {  	_ =	shalt  }
0x49: {  	_ =	shalt  }
0x4a: {  	_ =	shalt  }
0x4b: {  	_ =	shalt  }
0x4c: {  	_ =	shalt  }
0x4d: {  	_ =	shalt  }
0x4e: {  	_ =	shalt  }
0x4f: {  	_ =	shalt  }
0x50: {  	_ =	shalt  }
0x51: {  	_ =	shalt  }
0x52: {  	_ =	shalt  }
0x53: {  	_ =	shalt  }
0x54: {  	_ =	shalt  }
0x55: {  	_ =	shalt  }
0x56: {  	_ =	shalt  }
0x57: {  	_ =	shalt  }
0x58: {  	_ =	shalt  }
0x59: {  	_ =	shalt  }
0x5a: {  	_ =	shalt  }
0x5b: {  	_ =	shalt  }
0x5c: {  	_ =	shalt  }
0x5d: {  	_ =	shalt  }
0x5e: {  	_ =	shalt  }
0x5f: {  	_ =	shalt  }
0x60: {  	_ =	shalt  }
0x61: {  	_ =	shalt  }
0x62: {  	_ =	shalt  }
0x63: {  	_ =	shalt  }
0x64: {  	_ =	shalt  }
0x65: {  	_ =	shalt  }
0x66: {  	_ =	shalt  }
0x67: {  	_ =	shalt  }
0x68: {  	_ =	shalt  }
0x69: {  	_ =	shalt  }
0x6a: {  	_ =	shalt  }
0x6b: {  	_ =	shalt  }
0x6c: {  	_ =	shalt  }
0x6d: {  	_ =	shalt  }
0x6e: {  	_ =	shalt  }
0x6f: {  	_ =	shalt  }
0x70: {  	_ =	shalt  }
0x71: {  	_ =	shalt  }
0x72: {  	_ =	shalt  }
0x73: {  	_ =	shalt  }
0x74: {  	_ =	shalt  }
0x75: {  	_ =	shalt  }
0x76: {  	_ =	shalt  }
0x77: {  	_ =	shalt  }
0x78: {  	_ =	shalt  }
0x79: {  	_ =	shalt  }
0x7a: {  	_ =	shalt  }
0x7b: {  	_ =	shalt  }
0x7c: {  	_ =	shalt  }
0x7d: {  	_ =	shalt  }
0x7e: {  	_ =	shalt  }
0x7f: {  	_ =	shalt  }
0x80: {  	_ =	shalt  }
0x81: {  	_ =	shalt  }
0x82: {  	_ =	shalt  }
0x83: {  	_ =	shalt  }
0x84: {  	_ =	shalt  }
0x85: {  	_ =	shalt  }
0x86: {  	_ =	shalt  }
0x87: {  	_ =	shalt  }
.Lfunc_end0:
.L_simem_size_0:
called_computation_lowered:
.L_overlay_start_0:
0x88: {  	s2 =	sld [smem:$0x3FD9]  }
0x89: {  	s3 =	sld [smem:$0x3FFE];
	_ =	sdelay $0x1  }
0x8a: {  	s1 =	srdreg.scid  }
0x8b: {  	s0 =	sand.u32 $0x1, s1  }
0x8c: {  	s17 =	sshll.u32 s0, $0xA;
	s2 =	sadd.s32 s3, s2  }
0x8d: {  	s2 =	sadd.s32 s2, s17  }
0x8e: {  	[smem:$0x3FC4] =	sst s2  }
0x8f: {  	_ = 	snop  }
0x90: {  	s2 =	sld [smem:$0x3FD0];
	(tm) =	ssettm $0x1  }
0x91: {  	s18 =	sld [smem:$0x3FFB];
	_ =	sdelay $0x3  }
0x92: {  	_ =	strace s18  }
0x93: {  	s3 =	sld [smem:$0x3FFC];
	_ =	sdelay $0x3  }
0x94: {  	_ =	strace s3  }
0x95: {  	s3 =	sld [smem:$0x3FFD];
	_ =	sdelay $0x3  }
0x96: {  	_ =	strace s3  }
0x97: {  	_ =	strace $0x8FFFFFFF  }
0x98: {  	s19 =	sld [smem:$0x3FDB];
	_ =	sdelay $0x1  }
0x99: {  	s4 =	simm.s32 $_scs_section_size  }
0x9a: {  	s5 =	simm.s32 $_size__tile_overlayer_lowered;
	s6 =	simm.s32 $_tile_overlayer_lowered  }
0x9b: {  	s22 =	simm.s32 $0x1BFF;
	s21 =	sshll.u32 s6, $0x1;
	s3 =	sadd.s32 s4, s19  }
0x9c: {  	s7 =	simm.s32 $0x0;
	s20 =	sshll.u32 s5, $0x1;
	s5 =	sadd.s32 s21, s3  }
0x9d: {  	[timem:s7], [sflag:s22] =	dma.local [hbm:s5], s20  }
0x9e: {  	_ =	swait.ge [sflag:s22], s20  }
0x9f: {  	s4 =	ssub.s32 $0x0, s20;
	[sflag:s22] =	ssyncset.done $0x0  }
0xa0: {  	[sflag:s22] =	ssyncadd.s32 s4;
	_ =	sdelay $0x1  }
0xa1: {  	s23 =	simm.s32 $0x1B8B  }
0xa2: {  	_ =	swait.ge [sflag:s23], $0x1  }
0xa3: {  	[sflag:s23] =	ssyncset.done $0x0  }
0xa4: {  	s25 =	simm.s32 $0x1B8E;
	s24 =	sld [smem:$0x3FFE];
	[sflag:s23] =	ssyncadd.s32 $0xFFFFFFFF  }
0xa5: {  	s26 =	simm.s32 $execute0_lowered;
	[smem:$0x3FD2] =	sst s25  }
0xa6: {  	s5 =	sshll.u32 s26, $0x1;
	_ =	strace $0x80000046;
	[dreg:$0x1] =	wrdreg $0xFFFFFFFF  }
0xa7: {  	s28 =	simm.s32 $_size_execute0_lowered;
	s3 =	sadd.s32 s3, s5;
	[dreg:$0x0] =	wrdreg $0x0  }
0xa8: {  	s5 =	sshll.u32 s28, $0x1;
	[dreg:$0x2] =	wrdreg s3  }
0xa9: {  	[dreg:$0x3] =	wrdreg s5  }
0xaa: {  	[dreg:$0x4] =	wrdreg $0xC0  }
0xab: {  	_ =	task [dreg:s7], $0x5FFFF  }
0xac: {  	[dreg:$0x1] =	wrdreg $0xFFFFFFFF  }
0xad: {  	[dreg:$0x0] =	wrdreg $0x60  }
0xae: {  	[dreg:$0x2] =	wrdreg s2  }
0xaf: {  	[dreg:$0x3] =	wrdreg s24  }
0xb0: {  	[dreg:$0x4] =	wrdreg $0xB1300  }
0xb1: {  	[dreg:$0x5] =	wrdreg $0x1F1300  }
0xb2: {  	[dreg:$0x6] =	wrdreg $0x9  }
0xb3: {  	_ =	task.clear_ibuf [dreg:s7], $0x7FFFF;
	_ =	strace $0x90000046  }
0xb4: {  	s29 =	simm.s32 $0x9;
	_ =	strace $0x80000048  }
0xb5: {  	_ =	swait.ge [sflag:s29], $0x1  }
0xb6: {  	[sflag:s29] =	ssyncadd.s32 $0xFFFFFFFF  }
0xb7: {  	_ =	strace $0x90000048  }
0xb8: {  	_ =	sfence  }
0xb9: {  	s30 =	sld [smem:$0x0];
	_ =	sdelay $0x2  }
0xba: {  	s31 =	sshll.u32 s1, $0xD;
	s1 =	sshrl.u32 s1, $0x2  }
0xbb: {  	s3 =	sand.u32 $0x4000, s31;
	s1 =	sadd.s32 s1, s30  }
0xbc: {  	s0 =	sor.u32 s3, s0;
	s1 =	sshll.u32 s1, $0x11  }
0xbd: {  	s0 =	sor.u32 s1, s0  }
0xbe: {  	s0 =	sadd.s32 $0x8F2B, s0  }
0xbf: {  	[sflag:s0] =	ssyncadd.remote.s32 $0x1  }
0xc0: {  	_ =	sfence.sel $0xFFFF  }
0xc1: {  	[dreg:$0x0] =	wrdreg $0xFFFFFFFF;
	(pc) =	sbr.abs _section_cstart, $3  }
0xc2: {  	[dreg:$0x1] =	wrdreg $0xFFFFFFFF  }
0xc3: {  	_ =	task.clear_ibuf [dreg:s7], $0x2FFFF;
	_ =	strace $0x9FFFFFFF  }
0xc4: {  	(tm) =	ssettm $0x7FFFFFFF  }
0xc5: {  	_ =	shalt  }
tec
execute0_lowered:
.L_overlay_start_1:
0x0: {  	(tag) =	ssettag $0x1  }
0x1: {  	s1 =	rddreg [dreg:$0x0]  }
0x2: {  	s0 =	rddreg [dreg:$0x1]  }
0x3: {  	s2 =	rddreg [dreg:$0x2]  }
0x4: {  	s4 =	rddreg [dreg:$0x3]  }
0x5: {  	s5 =	simm.s32 $0x0;
	s3 =	srdreg.scid;
	s9 =	stileid.u32  }
0x6: {  	s15 =	simm.s32 $0xB0C0;
	s16 =	simm.s32 $0x8;
	s20 =	simm.s32 $0x70  }
0x7: {  	s28 =	simm.s32 $0x5;
	s29 =	simm.s32 $0x6;
	s30 =	simm.s32 $0x7  }
0x8: {  	s31 =	simm.s32 $0x0;
	[smem:$0x7FF] =	sst s5;
	s3 =	sand.u32 $0x1, s3  }
0x9: {  	s21 =	smul.u32 $0x14000, s9;
	s6 =	sadd.s32 $0xC00, s0;
	s8 =	sadd.s32 $0x14600, s0  }
0xa: {  	s22 =	sadd.s32 $0x16E00, s0;
	s23 =	smul.u32 $0x280, s9;
	s12 =	sadd.s32 $0x17000, s0  }
0xb: {  	_ =	strace $0x80000047;
	s7 =	smul.u32 $0x140000, s3;
	[dreg:$0x5] =	wrdreg s8  }
0xc: {  	s26 =	sshll.u32 s9, $0x6;
	[dreg:$0x6] =	wrdreg s22;
	s10 =	smul.u32 $0x2800, s3  }
0xd: {  	s11 =	sshll.u32 s3, $0x4;
	[dreg:$0x7] =	wrdreg s12;
	s3 =	ssub.s32 $0x2, s3  }
0xe: {  	s17 =	sor.u32 $0x1C08, s26;
	s22 =	simm.s32 $0x24C0;
	s26 =	simm.s32 $0x78C0  }
0xf: {  	s11 =	sor.u32 s9, s11;
	s24 =	sshrl.u32 s3, $0x1;
	s5 =	sadd.s32 s21, s2  }
0x10: {  	s8 =	sadd.s32 s23, s4;
	s7 =	sadd.s32 s21, s7;
	s10 =	sadd.s32 s23, s10  }
0x11: {  	s11 =	smul.u32 $0x4EC0, s11;
	s3 =	ssub.s32 s3, s24;
	s18 =	sshrl.u32 s5, $0x3  }
0x12: {  	s19 =	sshrl.u32 s8, $0x3;
	s21 =	simm.s32 $0x8C0;
	s23 =	simm.s32 $0x3  }
0x13: {  	s24 =	simm.s32 $0x40C0;
	s7 =	sshrl.u32 s7, $0x3;
	s10 =	sshrl.u32 s10, $0x3  }
0x14: {  	s14 =	smax.u32 s3, $0x1;
	s7 =	sadd.s32 s7, s0;
	s25 =	sshrl.u32 s11, $0x3  }
0x15: {  	s0 =	sadd.s32 s10, s0;
	s11 =	sadd.s32 $0x460, s11;
	s10 =	sadd.s32 s1, s25  }
0x16: {  	s12 =	sadd.s32 $0x17C00, s7;
	s13 =	sadd.s32 $0x17200, s0;
	s25 =	simm.s32 $0x4  }
.LBB2_1:
0x17: {  	s0 =	simm.s32 $0x0;
	s3 =	rddreg [dreg:$0x7]  }
0x18: {  	[tilespmem:s15], [sflag:$0x8] =	stream.linear.gather [hbm4b:s3+s0], $0x70, $0x38;
	[tilespmem:$0x1F3B0] =	vst v63  }
0x19: {  	_ =	swait.ge [sflag:s16], $0x70  }
0x1a: {  	[sflag:s16] =	ssyncset.done $0x0  }
0x1b: {  	s8 =	rddreg [dreg:$0x5];
	[sflag:s16] =	ssyncadd.s32 $0xFFFFFF90  }
0x1c: {  	[spmem:s18], [sflag:s17] =	dma.local [hbm:s8], $0x2800  }
0x1d: {  	_ =	swait.ge [sflag:s16], $0x2800  }
0x1e: {  	[sflag:s16] =	ssyncset.done $0x0  }
0x1f: {  	s9 =	rddreg [dreg:$0x6];
	[sflag:s16] =	ssyncadd.s32 $0xFFFFD800  }
0x20: {  	[spmem:s19], [sflag:s17] =	dma.local [hbm:s9], $0x50  }
0x21: {  	_ =	swait.ge [sflag:s16], $0x50  }
0x22: {  	[sflag:s16] =	ssyncset.done $0x0  }
0x23: {  	[sflag:s16] =	ssyncadd.s32 $0xFFFFFFB0  }
0x24: {  	[bflag:$0x0] =	sbarrier.arrive $0xFFFF  }
0x25: {  	[tilespmem:s0], [sflag:$0x1] =	stream.linear.gather [hbm4b:s10+s0], $0x460, $0x38;
	[tilespmem:$0x1F3B0] =	vst v63  }
0x26: {  	s0 =	simm.s32 $0x0  }
.LBB2_2:
0x27: {  	s3 =	sand.u32 $0x1, s0  }
0x28: {  	p0 =	seq.s32 s0, $0x11;
	s5 =	sadd.s32 $0x1, s3  }
0x29: {  	s7 =	smul.u32 @!p0 $0x460, s0;
	_ =	swait.ge [sflag:s5], $0x460  }
0x2a: {  	s8 =	sxor.u32 @!p0 $0x1, s3;
	[sflag:s5] =	ssyncset.done $0x0  }
0x2b: {  	s9 =	smul.u32 @!p0 $0x1180, s8;
	[sflag:s5] =	ssyncadd.s32 $0xFFFFFBA0;
	s5 =	sadd.s32 @!p0 s7, s11  }
0x2c: {  	s3 =	smul.u32 $0x1180, s3;
	s8 =	sadd.s32 @!p0 $0x1, s8;
	s5 =	sshrl.u32 @!p0 s5, $0x3  }
0x2d: {  	s7 =	sshrl.u32 @!p0 s9, $0x2;
	s9 =	simm.s32 @!p0 $0x0;
	s5 =	sadd.s32 @!p0 s1, s5  }
0x2e: {  	[tilespmem:s7], [sflag:s8] =	stream.linear.gather @!p0 [hbm4b:s5+s9], $0x460, $0x38;
	[tilespmem:$0x1F3B0] =	vst v63  }
0x2f: {  	s3 =	sshrl.u32 s3, $0x2  }
0x30: {  	[tilespmem:s21], [sflag:$0x3] =	stream.indirect.gather [hbm4b:s6+s20], $0x40, s3, s20, $0xb8;
	[tilespmem:$0x1F3B0] =	vst v63  }
0x31: {  	s8 =	sadd.s32 $0xE0, s3  }
0x32: {  	[tilespmem:s22], [sflag:$0x4] =	stream.indirect.gather [hbm4b:s6+s20], $0x40, s8, s20, $0xb8;
	[tilespmem:$0x1F3B0] =	vst v63  }
0x33: {  	_ =	swait.ge [sflag:s23], $0x1C00  }
0x34: {  	[sflag:s23] =	ssyncset.done $0x0  }
0x35: {  	s9 =	simm.s32 $0x0;
	[sflag:s23] =	ssyncadd.s32 $0xFFFFE400  }
0x36: {  	v0 =	vld [tilespmem:s9+$0x8C0];
	_ =	sdelay $0x4  }
0x37: {  	s5 =	simm.s32 $0x4100;
	v1 =	vshll.u32 v0, $0x10  }
0x38: {  	v0 =	vand.u32 $0xFFFF0000, v0;
	[tilespmem:s5+$0xFFFFFFC0] =	vst v1  }
0x39: {  	[tilespmem:s5+$0xFFFFFFD0] =	vst v0  }
0x3a: {  	v0 =	vld [tilespmem:s9+$0x8D0];
	_ =	sdelay $0x4  }
0x3b: {  	v1 =	vshll.u32 v0, $0x10  }
0x3c: {  	v0 =	vand.u32 $0xFFFF0000, v0;
	[tilespmem:s5+$0xFFFFFFE0] =	vst v1  }
0x3d: {  	[tilespmem:s5+$0xFFFFFFF0] =	vst v0  }
0x3e: {  	v0 =	vld [tilespmem:s9+$0x8E0];
	_ =	sdelay $0x4  }
0x3f: {  	v1 =	vand.u32 $0xFFFF0000, v0  }
0x40: {  	v0 =	vshll.u32 v0, $0x10;
	[tilespmem:s5+$0x10] =	vst v1  }
0x41: {  	[tilespmem:s5+$0x0] =	vst v0  }
0x42: {  	v0 =	vld [tilespmem:s9+$0x8F0];
	_ =	sdelay $0x4  }
0x43: {  	v1 =	vshll.u32 v0, $0x10  }
0x44: {  	v0 =	vand.u32 $0xFFFF0000, v0;
	[tilespmem:s5+$0x20] =	vst v1  }
0x45: {  	s7 =	simm.s32 $0x40;
	[tilespmem:s5+$0x30] =	vst v0  }
0x46: {  	v0 =	vld [tilespmem:s7+$0x8C0]  }
0x47: {  	s8 =	simm.s32 $0x200  }
.LBB2_3:
0x48: {  	p0 =	sne.s32 s8, $0x6F00;
	_ =	sdelay $0x2  }
0x49: {  	s5 =	sadd.s32 $0x80, s5;
	v1 =	vshll.u32 v0, $0x10  }
0x4a: {  	v0 =	vand.u32 $0xFFFF0000, v0;
	[tilespmem:s5+$0xFFFFFFC0] =	vst v1  }
0x4b: {  	[tilespmem:s5+$0xFFFFFFD0] =	vst v0  }
0x4c: {  	v0 =	vld [tilespmem:s7+$0x8D0];
	_ =	sdelay $0x4  }
0x4d: {  	v1 =	vshll.u32 v0, $0x10  }
0x4e: {  	v0 =	vand.u32 $0xFFFF0000, v0;
	[tilespmem:s5+$0xFFFFFFE0] =	vst v1  }
0x4f: {  	[tilespmem:s5+$0xFFFFFFF0] =	vst v0  }
0x50: {  	v0 =	vld [tilespmem:s7+$0x8E0];
	_ =	sdelay $0x4  }
0x51: {  	v1 =	vshll.u32 v0, $0x10;
	v0 =	vand.u32 $0xFFFF0000, v0  }
0x52: {  	[tilespmem:s5+$0x10] =	vst v0  }
0x53: {  	[tilespmem:s5+$0x0] =	vst v1  }
0x54: {  	v0 =	vld [tilespmem:s7+$0x8F0];
	_ =	sdelay $0x4  }
.Ltmp0:
0x55: {  	v1 =	vshll.u32 v0, $0x10;
	v0 =	vand.u32 $0xFFFF0000, v0;
	(pc) =	sbr.rel @p0 .LBB2_3-.Ltmp0, $4  }
0x56: {  	[tilespmem:s5+$0x20] =	vst v1  }
0x57: {  	s7 =	sshra.s32 s8, $0x2;
	[tilespmem:s5+$0x30] =	vst v0  }
0x58: {  	v0 =	vld [tilespmem:s7+$0x8C0]  }
0x59: {  	s8 =	sadd.s32 $0x100, s8  }
0x5a: {  	_ =	sdelay $0x2  }
0x5b: {  	s5 =	sadd.s32 $0x80, s5;
	v1 =	vshll.u32 v0, $0x10  }
0x5c: {  	v0 =	vand.u32 $0xFFFF0000, v0;
	[tilespmem:s5+$0xFFFFFFC0] =	vst v1  }
0x5d: {  	[tilespmem:s5+$0xFFFFFFD0] =	vst v0  }
0x5e: {  	v0 =	vld [tilespmem:s7+$0x8D0];
	_ =	sdelay $0x4  }
0x5f: {  	v1 =	vshll.u32 v0, $0x10  }
0x60: {  	v0 =	vand.u32 $0xFFFF0000, v0;
	[tilespmem:s5+$0xFFFFFFE0] =	vst v1  }
0x61: {  	[tilespmem:s5+$0xFFFFFFF0] =	vst v0  }
0x62: {  	v0 =	vld [tilespmem:s7+$0x8E0];
	_ =	sdelay $0x4  }
0x63: {  	v1 =	vand.u32 $0xFFFF0000, v0  }
0x64: {  	v0 =	vshll.u32 v0, $0x10;
	[tilespmem:s5+$0x10] =	vst v1  }
0x65: {  	[tilespmem:s5+$0x0] =	vst v0  }
0x66: {  	v0 =	vld [tilespmem:s7+$0x8F0];
	_ =	sdelay $0x4  }
0x67: {  	v1 =	vshll.u32 v0, $0x10  }
0x68: {  	v0 =	vand.u32 $0xFFFF0000, v0;
	[tilespmem:s5+$0x20] =	vst v1  }
0x69: {  	s7 =	sadd.s32 $0x70, s3;
	[tilespmem:s5+$0x30] =	vst v0  }
0x6a: {  	[spmem:s2] =	stream.indirect.scatter.add.f32 [tilespmem:s24], [sflag:$0x5], $0x80, s7, s20, $0xb8;
	[tilespmem:$0x1F3B0] =	vst v63  }
0x6b: {  	_ = 	snop  }
0x6c: {  	[spmem:s4] =	stream.indirect.scatter.add.f32 [tilespmem:s15], [sflag:$0x7], $0x1, s7, s20, $0xb8;
	[tilespmem:$0x1F3B0] =	vst v63  }
0x6d: {  	s8 =	sadd.s32 $0x1C0, s3  }
0x6e: {  	[tilespmem:s21], [sflag:$0x3] =	stream.indirect.gather [hbm4b:s6+s20], $0x40, s8, s20, $0xb8;
	[tilespmem:$0x1F3B0] =	vst v63  }
0x6f: {  	_ =	swait.ge [sflag:s25], $0x1C00  }
0x70: {  	[sflag:s25] =	ssyncset.done $0x0  }
0x71: {  	s9 =	simm.s32 $0x0;
	[sflag:s25] =	ssyncadd.s32 $0xFFFFE400  }
0x72: {  	v0 =	vld [tilespmem:s9+$0x24C0];
	_ =	sdelay $0x4  }
0x73: {  	s5 =	simm.s32 $0x7930;
	v1 =	vshll.u32 v0, $0x10  }
0x74: {  	v0 =	vand.u32 $0xFFFF0000, v0;
	[tilespmem:s5+$0xFFFFFF90] =	vst v1  }
0x75: {  	[tilespmem:s5+$0xFFFFFFA0] =	vst v0  }
0x76: {  	v0 =	vld [tilespmem:s9+$0x24D0];
	_ =	sdelay $0x4  }
0x77: {  	v1 =	vshll.u32 v0, $0x10  }
0x78: {  	v0 =	vand.u32 $0xFFFF0000, v0;
	[tilespmem:s5+$0xFFFFFFB0] =	vst v1  }
0x79: {  	[tilespmem:s5+$0xFFFFFFC0] =	vst v0  }
0x7a: {  	v0 =	vld [tilespmem:s9+$0x24E0];
	_ =	sdelay $0x4  }
0x7b: {  	v1 =	vand.u32 $0xFFFF0000, v0  }
0x7c: {  	v0 =	vshll.u32 v0, $0x10;
	[tilespmem:s5+$0xFFFFFFE0] =	vst v1  }
0x7d: {  	[tilespmem:s5+$0xFFFFFFD0] =	vst v0  }
0x7e: {  	v0 =	vld [tilespmem:s9+$0x24F0];
	_ =	sdelay $0x4  }
0x7f: {  	v1 =	vshll.u32 v0, $0x10  }
0x80: {  	v0 =	vand.u32 $0xFFFF0000, v0;
	[tilespmem:s5+$0xFFFFFFF0] =	vst v1  }
0x81: {  	s7 =	simm.s32 $0x40;
	[tilespmem:s5+$0x0] =	vst v0  }
0x82: {  	v0 =	vld [tilespmem:s7+$0x24C0]  }
0x83: {  	s8 =	simm.s32 $0x200  }
.LBB2_5:
0x84: {  	p0 =	sne.s32 s8, $0x6F00;
	_ =	sdelay $0x2  }
0x85: {  	s5 =	sadd.s32 $0x80, s5;
	v1 =	vshll.u32 v0, $0x10  }
0x86: {  	v0 =	vand.u32 $0xFFFF0000, v0;
	[tilespmem:s5+$0xFFFFFF90] =	vst v1  }
0x87: {  	[tilespmem:s5+$0xFFFFFFA0] =	vst v0  }
0x88: {  	v0 =	vld [tilespmem:s7+$0x24D0];
	_ =	sdelay $0x4  }
0x89: {  	v1 =	vshll.u32 v0, $0x10  }
0x8a: {  	v0 =	vand.u32 $0xFFFF0000, v0;
	[tilespmem:s5+$0xFFFFFFB0] =	vst v1  }
0x8b: {  	[tilespmem:s5+$0xFFFFFFC0] =	vst v0  }
0x8c: {  	v0 =	vld [tilespmem:s7+$0x24E0];
	_ =	sdelay $0x4  }
0x8d: {  	v1 =	vshll.u32 v0, $0x10;
	v0 =	vand.u32 $0xFFFF0000, v0  }
0x8e: {  	[tilespmem:s5+$0xFFFFFFE0] =	vst v0  }
0x8f: {  	[tilespmem:s5+$0xFFFFFFD0] =	vst v1  }
0x90: {  	v0 =	vld [tilespmem:s7+$0x24F0];
	_ =	sdelay $0x4  }
.Ltmp1:
0x91: {  	v1 =	vshll.u32 v0, $0x10;
	v0 =	vand.u32 $0xFFFF0000, v0;
	(pc) =	sbr.rel @p0 .LBB2_5-.Ltmp1, $4  }
0x92: {  	[tilespmem:s5+$0xFFFFFFF0] =	vst v1  }
0x93: {  	s7 =	sshra.s32 s8, $0x2;
	[tilespmem:s5+$0x0] =	vst v0  }
0x94: {  	v0 =	vld [tilespmem:s7+$0x24C0]  }
0x95: {  	s8 =	sadd.s32 $0x100, s8  }
0x96: {  	_ =	sdelay $0x2  }
0x97: {  	s5 =	sadd.s32 $0x80, s5;
	v1 =	vshll.u32 v0, $0x10  }
0x98: {  	v0 =	vand.u32 $0xFFFF0000, v0;
	[tilespmem:s5+$0xFFFFFF90] =	vst v1  }
0x99: {  	[tilespmem:s5+$0xFFFFFFA0] =	vst v0  }
0x9a: {  	v0 =	vld [tilespmem:s7+$0x24D0];
	_ =	sdelay $0x4  }
0x9b: {  	v1 =	vshll.u32 v0, $0x10  }
0x9c: {  	v0 =	vand.u32 $0xFFFF0000, v0;
	[tilespmem:s5+$0xFFFFFFB0] =	vst v1  }
0x9d: {  	[tilespmem:s5+$0xFFFFFFC0] =	vst v0  }
0x9e: {  	v0 =	vld [tilespmem:s7+$0x24E0];
	_ =	sdelay $0x4  }
0x9f: {  	v1 =	vand.u32 $0xFFFF0000, v0  }
0xa0: {  	v0 =	vshll.u32 v0, $0x10;
	[tilespmem:s5+$0xFFFFFFE0] =	vst v1  }
0xa1: {  	[tilespmem:s5+$0xFFFFFFD0] =	vst v0  }
0xa2: {  	v0 =	vld [tilespmem:s7+$0x24F0];
	_ =	sdelay $0x4  }
0xa3: {  	v1 =	vshll.u32 v0, $0x10  }
0xa4: {  	v0 =	vand.u32 $0xFFFF0000, v0;
	[tilespmem:s5+$0xFFFFFFF0] =	vst v1  }
0xa5: {  	s7 =	sadd.s32 $0x150, s3;
	[tilespmem:s5+$0x0] =	vst v0  }
0xa6: {  	[spmem:s2] =	stream.indirect.scatter.add.f32 [tilespmem:s26], [sflag:$0x6], $0x80, s7, s20, $0xb8;
	[tilespmem:$0x1F3B0] =	vst v63  }
0xa7: {  	_ = 	snop  }
0xa8: {  	[spmem:s4] =	stream.indirect.scatter.add.f32 [tilespmem:s15], [sflag:$0x7], $0x1, s7, s20, $0xb8;
	[tilespmem:$0x1F3B0] =	vst v63  }
0xa9: {  	s8 =	sadd.s32 $0x2A0, s3  }
0xaa: {  	[tilespmem:s22], [sflag:$0x4] =	stream.indirect.gather [hbm4b:s6+s20], $0x40, s8, s20, $0xb8;
	[tilespmem:$0x1F3B0] =	vst v63  }
0xab: {  	_ =	swait.ge [sflag:s23], $0x1C00  }
0xac: {  	[sflag:s23] =	ssyncset.done $0x0  }
0xad: {  	[sflag:s23] =	ssyncadd.s32 $0xFFFFE400  }
0xae: {  	_ =	swait.ge [sflag:s28], $0x3800  }
0xaf: {  	[sflag:s28] =	ssyncset.done $0x0  }
0xb0: {  	s9 =	simm.s32 $0x0;
	[sflag:s28] =	ssyncadd.s32 $0xFFFFC800  }
0xb1: {  	v0 =	vld [tilespmem:s9+$0x8C0];
	_ =	sdelay $0x4  }
0xb2: {  	s5 =	simm.s32 $0x4100;
	v1 =	vshll.u32 v0, $0x10  }
0xb3: {  	v0 =	vand.u32 $0xFFFF0000, v0;
	[tilespmem:s5+$0xFFFFFFC0] =	vst v1  }
0xb4: {  	[tilespmem:s5+$0xFFFFFFD0] =	vst v0  }
0xb5: {  	v0 =	vld [tilespmem:s9+$0x8D0];
	_ =	sdelay $0x4  }
0xb6: {  	v1 =	vshll.u32 v0, $0x10  }
0xb7: {  	v0 =	vand.u32 $0xFFFF0000, v0;
	[tilespmem:s5+$0xFFFFFFE0] =	vst v1  }
0xb8: {  	[tilespmem:s5+$0xFFFFFFF0] =	vst v0  }
0xb9: {  	v0 =	vld [tilespmem:s9+$0x8E0];
	_ =	sdelay $0x4  }
0xba: {  	v1 =	vand.u32 $0xFFFF0000, v0  }
0xbb: {  	v0 =	vshll.u32 v0, $0x10;
	[tilespmem:s5+$0x10] =	vst v1  }
0xbc: {  	[tilespmem:s5+$0x0] =	vst v0  }
0xbd: {  	v0 =	vld [tilespmem:s9+$0x8F0];
	_ =	sdelay $0x4  }
0xbe: {  	v1 =	vshll.u32 v0, $0x10  }
0xbf: {  	v0 =	vand.u32 $0xFFFF0000, v0;
	[tilespmem:s5+$0x20] =	vst v1  }
0xc0: {  	s7 =	simm.s32 $0x40;
	[tilespmem:s5+$0x30] =	vst v0  }
0xc1: {  	v0 =	vld [tilespmem:s7+$0x8C0]  }
0xc2: {  	s8 =	simm.s32 $0x200  }
.LBB2_7:
0xc3: {  	p0 =	sne.s32 s8, $0x6F00;
	_ =	sdelay $0x2  }
0xc4: {  	s5 =	sadd.s32 $0x80, s5;
	v1 =	vshll.u32 v0, $0x10  }
0xc5: {  	v0 =	vand.u32 $0xFFFF0000, v0;
	[tilespmem:s5+$0xFFFFFFC0] =	vst v1  }
0xc6: {  	[tilespmem:s5+$0xFFFFFFD0] =	vst v0  }
0xc7: {  	v0 =	vld [tilespmem:s7+$0x8D0];
	_ =	sdelay $0x4  }
0xc8: {  	v1 =	vshll.u32 v0, $0x10  }
0xc9: {  	v0 =	vand.u32 $0xFFFF0000, v0;
	[tilespmem:s5+$0xFFFFFFE0] =	vst v1  }
0xca: {  	[tilespmem:s5+$0xFFFFFFF0] =	vst v0  }
0xcb: {  	v0 =	vld [tilespmem:s7+$0x8E0];
	_ =	sdelay $0x4  }
0xcc: {  	v1 =	vshll.u32 v0, $0x10;
	v0 =	vand.u32 $0xFFFF0000, v0  }
0xcd: {  	[tilespmem:s5+$0x10] =	vst v0  }
0xce: {  	[tilespmem:s5+$0x0] =	vst v1  }
0xcf: {  	v0 =	vld [tilespmem:s7+$0x8F0];
	_ =	sdelay $0x4  }
.Ltmp2:
0xd0: {  	v1 =	vshll.u32 v0, $0x10;
	v0 =	vand.u32 $0xFFFF0000, v0;
	(pc) =	sbr.rel @p0 .LBB2_7-.Ltmp2, $4  }
0xd1: {  	[tilespmem:s5+$0x20] =	vst v1  }
0xd2: {  	s7 =	sshra.s32 s8, $0x2;
	[tilespmem:s5+$0x30] =	vst v0  }
0xd3: {  	v0 =	vld [tilespmem:s7+$0x8C0]  }
0xd4: {  	s8 =	sadd.s32 $0x100, s8  }
0xd5: {  	_ =	sdelay $0x2  }
0xd6: {  	s5 =	sadd.s32 $0x80, s5;
	v1 =	vshll.u32 v0, $0x10  }
0xd7: {  	v0 =	vand.u32 $0xFFFF0000, v0;
	[tilespmem:s5+$0xFFFFFFC0] =	vst v1  }
0xd8: {  	[tilespmem:s5+$0xFFFFFFD0] =	vst v0  }
0xd9: {  	v0 =	vld [tilespmem:s7+$0x8D0];
	_ =	sdelay $0x4  }
0xda: {  	v1 =	vshll.u32 v0, $0x10  }
0xdb: {  	v0 =	vand.u32 $0xFFFF0000, v0;
	[tilespmem:s5+$0xFFFFFFE0] =	vst v1  }
0xdc: {  	[tilespmem:s5+$0xFFFFFFF0] =	vst v0  }
0xdd: {  	v0 =	vld [tilespmem:s7+$0x8E0];
	_ =	sdelay $0x4  }
0xde: {  	v1 =	vand.u32 $0xFFFF0000, v0  }
0xdf: {  	v0 =	vshll.u32 v0, $0x10;
	[tilespmem:s5+$0x10] =	vst v1  }
0xe0: {  	[tilespmem:s5+$0x0] =	vst v0  }
0xe1: {  	v0 =	vld [tilespmem:s7+$0x8F0];
	_ =	sdelay $0x4  }
0xe2: {  	v1 =	vshll.u32 v0, $0x10  }
0xe3: {  	v0 =	vand.u32 $0xFFFF0000, v0;
	[tilespmem:s5+$0x20] =	vst v1  }
0xe4: {  	s7 =	sadd.s32 $0x230, s3;
	[tilespmem:s5+$0x30] =	vst v0  }
0xe5: {  	[spmem:s2] =	stream.indirect.scatter.add.f32 [tilespmem:s24], [sflag:$0x5], $0x80, s7, s20, $0xb8;
	[tilespmem:$0x1F3B0] =	vst v63  }
0xe6: {  	_ = 	snop  }
0xe7: {  	[spmem:s4] =	stream.indirect.scatter.add.f32 [tilespmem:s15], [sflag:$0x7], $0x1, s7, s20, $0xb8;
	[tilespmem:$0x1F3B0] =	vst v63  }
0xe8: {  	s8 =	sadd.s32 $0x380, s3  }
0xe9: {  	[tilespmem:s21], [sflag:$0x3] =	stream.indirect.gather [hbm4b:s6+s20], $0x40, s8, s20, $0xb8;
	[tilespmem:$0x1F3B0] =	vst v63  }
0xea: {  	_ =	swait.ge [sflag:s25], $0x1C00  }
0xeb: {  	[sflag:s25] =	ssyncset.done $0x0  }
0xec: {  	[sflag:s25] =	ssyncadd.s32 $0xFFFFE400  }
0xed: {  	_ =	swait.ge [sflag:s29], $0x3800  }
0xee: {  	[sflag:s29] =	ssyncset.done $0x0  }
0xef: {  	s9 =	simm.s32 $0x0;
	[sflag:s29] =	ssyncadd.s32 $0xFFFFC800  }
0xf0: {  	v0 =	vld [tilespmem:s9+$0x24C0];
	_ =	sdelay $0x4  }
0xf1: {  	s5 =	simm.s32 $0x7930;
	v1 =	vshll.u32 v0, $0x10  }
0xf2: {  	v0 =	vand.u32 $0xFFFF0000, v0;
	[tilespmem:s5+$0xFFFFFF90] =	vst v1  }
0xf3: {  	[tilespmem:s5+$0xFFFFFFA0] =	vst v0  }
0xf4: {  	v0 =	vld [tilespmem:s9+$0x24D0];
	_ =	sdelay $0x4  }
0xf5: {  	v1 =	vshll.u32 v0, $0x10  }
0xf6: {  	v0 =	vand.u32 $0xFFFF0000, v0;
	[tilespmem:s5+$0xFFFFFFB0] =	vst v1  }
0xf7: {  	[tilespmem:s5+$0xFFFFFFC0] =	vst v0  }
0xf8: {  	v0 =	vld [tilespmem:s9+$0x24E0];
	_ =	sdelay $0x4  }
0xf9: {  	v1 =	vand.u32 $0xFFFF0000, v0  }
0xfa: {  	v0 =	vshll.u32 v0, $0x10;
	[tilespmem:s5+$0xFFFFFFE0] =	vst v1  }
0xfb: {  	[tilespmem:s5+$0xFFFFFFD0] =	vst v0  }
0xfc: {  	v0 =	vld [tilespmem:s9+$0x24F0];
	_ =	sdelay $0x4  }
0xfd: {  	v1 =	vshll.u32 v0, $0x10  }
0xfe: {  	v0 =	vand.u32 $0xFFFF0000, v0;
	[tilespmem:s5+$0xFFFFFFF0] =	vst v1  }
0xff: {  	s7 =	simm.s32 $0x40;
	[tilespmem:s5+$0x0] =	vst v0  }
0x100: {  	v0 =	vld [tilespmem:s7+$0x24C0]  }
0x101: {  	s8 =	simm.s32 $0x200  }
.LBB2_9:
0x102: {  	p0 =	sne.s32 s8, $0x6F00;
	_ =	sdelay $0x2  }
0x103: {  	s5 =	sadd.s32 $0x80, s5;
	v1 =	vshll.u32 v0, $0x10  }
0x104: {  	v0 =	vand.u32 $0xFFFF0000, v0;
	[tilespmem:s5+$0xFFFFFF90] =	vst v1  }
0x105: {  	[tilespmem:s5+$0xFFFFFFA0] =	vst v0  }
0x106: {  	v0 =	vld [tilespmem:s7+$0x24D0];
	_ =	sdelay $0x4  }
0x107: {  	v1 =	vshll.u32 v0, $0x10  }
0x108: {  	v0 =	vand.u32 $0xFFFF0000, v0;
	[tilespmem:s5+$0xFFFFFFB0] =	vst v1  }
0x109: {  	[tilespmem:s5+$0xFFFFFFC0] =	vst v0  }
0x10a: {  	v0 =	vld [tilespmem:s7+$0x24E0];
	_ =	sdelay $0x4  }
0x10b: {  	v1 =	vshll.u32 v0, $0x10;
	v0 =	vand.u32 $0xFFFF0000, v0  }
0x10c: {  	[tilespmem:s5+$0xFFFFFFE0] =	vst v0  }
0x10d: {  	[tilespmem:s5+$0xFFFFFFD0] =	vst v1  }
0x10e: {  	v0 =	vld [tilespmem:s7+$0x24F0];
	_ =	sdelay $0x4  }
.Ltmp3:
0x10f: {  	v1 =	vshll.u32 v0, $0x10;
	v0 =	vand.u32 $0xFFFF0000, v0;
	(pc) =	sbr.rel @p0 .LBB2_9-.Ltmp3, $4  }
0x110: {  	[tilespmem:s5+$0xFFFFFFF0] =	vst v1  }
0x111: {  	s7 =	sshra.s32 s8, $0x2;
	[tilespmem:s5+$0x0] =	vst v0  }
0x112: {  	v0 =	vld [tilespmem:s7+$0x24C0]  }
0x113: {  	s8 =	sadd.s32 $0x100, s8  }
0x114: {  	_ =	sdelay $0x2  }
0x115: {  	s5 =	sadd.s32 $0x80, s5;
	v1 =	vshll.u32 v0, $0x10  }
0x116: {  	v0 =	vand.u32 $0xFFFF0000, v0;
	[tilespmem:s5+$0xFFFFFF90] =	vst v1  }
0x117: {  	[tilespmem:s5+$0xFFFFFFA0] =	vst v0  }
0x118: {  	v0 =	vld [tilespmem:s7+$0x24D0];
	_ =	sdelay $0x4  }
0x119: {  	v1 =	vshll.u32 v0, $0x10  }
0x11a: {  	v0 =	vand.u32 $0xFFFF0000, v0;
	[tilespmem:s5+$0xFFFFFFB0] =	vst v1  }
0x11b: {  	[tilespmem:s5+$0xFFFFFFC0] =	vst v0  }
0x11c: {  	v0 =	vld [tilespmem:s7+$0x24E0];
	_ =	sdelay $0x4  }
0x11d: {  	v1 =	vand.u32 $0xFFFF0000, v0  }
0x11e: {  	v0 =	vshll.u32 v0, $0x10;
	[tilespmem:s5+$0xFFFFFFE0] =	vst v1  }
0x11f: {  	[tilespmem:s5+$0xFFFFFFD0] =	vst v0  }
0x120: {  	v0 =	vld [tilespmem:s7+$0x24F0];
	_ =	sdelay $0x4  }
0x121: {  	v1 =	vshll.u32 v0, $0x10  }
0x122: {  	v0 =	vand.u32 $0xFFFF0000, v0;
	[tilespmem:s5+$0xFFFFFFF0] =	vst v1  }
0x123: {  	s8 =	sadd.s32 $0x310, s3;
	[tilespmem:s5+$0x0] =	vst v0  }
0x124: {  	[spmem:s2] =	stream.indirect.scatter.add.f32 [tilespmem:s26], [sflag:$0x6], $0x80, s8, s20, $0xb8;
	[tilespmem:$0x1F3B0] =	vst v63  }
0x125: {  	_ = 	snop  }
0x126: {  	[spmem:s4] =	stream.indirect.scatter.add.f32 [tilespmem:s15], [sflag:$0x7], $0x1, s8, s20, $0xb8;
	[tilespmem:$0x1F3B0] =	vst v63  }
0x127: {  	_ =	swait.ge [sflag:s23], $0x1C00  }
0x128: {  	[sflag:s23] =	ssyncset.done $0x0  }
0x129: {  	[sflag:s23] =	ssyncadd.s32 $0xFFFFE400  }
0x12a: {  	_ =	swait.ge [sflag:s28], $0x3800  }
0x12b: {  	[sflag:s28] =	ssyncset.done $0x0  }
0x12c: {  	s9 =	simm.s32 $0x0;
	[sflag:s28] =	ssyncadd.s32 $0xFFFFC800  }
0x12d: {  	v0 =	vld [tilespmem:s9+$0x8C0];
	_ =	sdelay $0x4  }
0x12e: {  	s5 =	simm.s32 $0x4100;
	v1 =	vshll.u32 v0, $0x10  }
0x12f: {  	v0 =	vand.u32 $0xFFFF0000, v0;
	[tilespmem:s5+$0xFFFFFFC0] =	vst v1  }
0x130: {  	[tilespmem:s5+$0xFFFFFFD0] =	vst v0  }
0x131: {  	v0 =	vld [tilespmem:s9+$0x8D0];
	_ =	sdelay $0x4  }
0x132: {  	v1 =	vshll.u32 v0, $0x10  }
0x133: {  	v0 =	vand.u32 $0xFFFF0000, v0;
	[tilespmem:s5+$0xFFFFFFE0] =	vst v1  }
0x134: {  	[tilespmem:s5+$0xFFFFFFF0] =	vst v0  }
0x135: {  	v0 =	vld [tilespmem:s9+$0x8E0];
	_ =	sdelay $0x4  }
0x136: {  	v1 =	vand.u32 $0xFFFF0000, v0  }
0x137: {  	v0 =	vshll.u32 v0, $0x10;
	[tilespmem:s5+$0x10] =	vst v1  }
0x138: {  	[tilespmem:s5+$0x0] =	vst v0  }
0x139: {  	v0 =	vld [tilespmem:s9+$0x8F0];
	_ =	sdelay $0x4  }
0x13a: {  	v1 =	vshll.u32 v0, $0x10  }
0x13b: {  	v0 =	vand.u32 $0xFFFF0000, v0;
	[tilespmem:s5+$0x20] =	vst v1  }
0x13c: {  	s7 =	simm.s32 $0x40;
	[tilespmem:s5+$0x30] =	vst v0  }
0x13d: {  	v0 =	vld [tilespmem:s7+$0x8C0]  }
0x13e: {  	s8 =	simm.s32 $0x200  }
.LBB2_11:
0x13f: {  	p0 =	sne.s32 s8, $0x6F00;
	_ =	sdelay $0x2  }
0x140: {  	s5 =	sadd.s32 $0x80, s5;
	v1 =	vshll.u32 v0, $0x10  }
0x141: {  	v0 =	vand.u32 $0xFFFF0000, v0;
	[tilespmem:s5+$0xFFFFFFC0] =	vst v1  }
0x142: {  	[tilespmem:s5+$0xFFFFFFD0] =	vst v0  }
0x143: {  	v0 =	vld [tilespmem:s7+$0x8D0];
	_ =	sdelay $0x4  }
0x144: {  	v1 =	vshll.u32 v0, $0x10  }
0x145: {  	v0 =	vand.u32 $0xFFFF0000, v0;
	[tilespmem:s5+$0xFFFFFFE0] =	vst v1  }
0x146: {  	[tilespmem:s5+$0xFFFFFFF0] =	vst v0  }
0x147: {  	v0 =	vld [tilespmem:s7+$0x8E0];
	_ =	sdelay $0x4  }
0x148: {  	v1 =	vshll.u32 v0, $0x10;
	v0 =	vand.u32 $0xFFFF0000, v0  }
0x149: {  	[tilespmem:s5+$0x10] =	vst v0  }
0x14a: {  	[tilespmem:s5+$0x0] =	vst v1  }
0x14b: {  	v0 =	vld [tilespmem:s7+$0x8F0];
	_ =	sdelay $0x4  }
.Ltmp4:
0x14c: {  	v1 =	vshll.u32 v0, $0x10;
	v0 =	vand.u32 $0xFFFF0000, v0;
	(pc) =	sbr.rel @p0 .LBB2_11-.Ltmp4, $4  }
0x14d: {  	[tilespmem:s5+$0x20] =	vst v1  }
0x14e: {  	s7 =	sshra.s32 s8, $0x2;
	[tilespmem:s5+$0x30] =	vst v0  }
0x14f: {  	v0 =	vld [tilespmem:s7+$0x8C0]  }
0x150: {  	s8 =	sadd.s32 $0x100, s8  }
0x151: {  	_ =	sdelay $0x2  }
0x152: {  	s5 =	sadd.s32 $0x80, s5;
	v1 =	vshll.u32 v0, $0x10  }
0x153: {  	v60 =	vand.u32 $0xFFFF0000, v0;
	[tilespmem:s5+$0xFFFFFFC0] =	vst v1  }
0x154: {  	[tilespmem:s5+$0xFFFFFFD0] =	vst v60  }
0x155: {  	v0 =	vld [tilespmem:s7+$0x8D0];
	_ =	sdelay $0x4  }
0x156: {  	v61 =	vshll.u32 v0, $0x10  }
0x157: {  	v0 =	vand.u32 $0xFFFF0000, v0;
	[tilespmem:s5+$0xFFFFFFE0] =	vst v61  }
0x158: {  	[tilespmem:s5+$0xFFFFFFF0] =	vst v0  }
0x159: {  	v0 =	vld [tilespmem:s7+$0x8E0];
	_ =	sdelay $0x4  }
0x15a: {  	v62 =	vand.u32 $0xFFFF0000, v0  }
0x15b: {  	v0 =	vshll.u32 v0, $0x10;
	[tilespmem:s5+$0x10] =	vst v62  }
0x15c: {  	[tilespmem:s5+$0x0] =	vst v0  }
0x15d: {  	v0 =	vld [tilespmem:s7+$0x8F0];
	_ =	sdelay $0x4  }
0x15e: {  	v63 =	vshll.u32 v0, $0x10  }
0x15f: {  	v0 =	vand.u32 $0xFFFF0000, v0;
	[tilespmem:s5+$0x20] =	vst v63  }
0x160: {  	s3 =	sadd.s32 $0x3F0, s3;
	[tilespmem:s5+$0x30] =	vst v0  }
0x161: {  	[spmem:s2] =	stream.indirect.scatter.add.f32 [tilespmem:s24], [sflag:$0x5], $0x80, s3, s20, $0xb8;
	[tilespmem:$0x1F3B0] =	vst v63  }
0x162: {  	_ = 	snop  }
0x163: {  	[spmem:s4] =	stream.indirect.scatter.add.f32 [tilespmem:s15], [sflag:$0x7], $0x1, s3, s20, $0xb8;
	[tilespmem:$0x1F3B0] =	vst v63  }
0x164: {  	_ =	swait.ge [sflag:s29], $0x3800  }
0x165: {  	[sflag:s29] =	ssyncset.done $0x0  }
0x166: {  	[sflag:s29] =	ssyncadd.s32 $0xFFFFC800  }
0x167: {  	_ =	swait.ge [sflag:s28], $0x3800  }
0x168: {  	[sflag:s28] =	ssyncset.done $0x0  }
0x169: {  	[sflag:s28] =	ssyncadd.s32 $0xFFFFC800  }
0x16a: {  	_ =	swait.ge [sflag:s30], $0x70  }
0x16b: {  	[sflag:s30] =	ssyncset.done $0x0  }
0x16c: {  	[sflag:s30] =	ssyncadd.s32 $0xFFFFFF90  }
0x16d: {  	_ =	swait.ge [sflag:s30], $0x70  }
0x16e: {  	[sflag:s30] =	ssyncset.done $0x0  }
0x16f: {  	[sflag:s30] =	ssyncadd.s32 $0xFFFFFF90  }
0x170: {  	_ =	swait.ge [sflag:s30], $0x70  }
0x171: {  	[sflag:s30] =	ssyncset.done $0x0  }
0x172: {  	s0 =	sadd.s32 $0x1, s0;
	[sflag:s30] =	ssyncadd.s32 $0xFFFFFF90  }
0x173: {  	p0 =	sne.s32 s0, $0x12;
	_ =	swait.ge [sflag:s30], $0x70  }
.Ltmp5:
0x174: {  	[sflag:s30] =	ssyncset.done $0x0;
	(pc) =	sbr.rel @p0 .LBB2_2-.Ltmp5, $4  }
0x175: {  	[sflag:s30] =	ssyncadd.s32 $0xFFFFFF90  }
0x176: {  	_ =	swait.ge [sflag:s30], $0x70  }
0x177: {  	[sflag:s30] =	ssyncset.done $0x0  }
0x178: {  	[sflag:s30] =	ssyncadd.s32 $0xFFFFFF90  }
0x179: {  	[bflag:$0x0] =	sbarrier.arrive $0xFFFF  }
0x17a: {  	[hbm:s12], [sflag:s17] =	dma.local [spmem:s18], $0x2800  }
0x17b: {  	s31 =	sadd.s32 $0x1, s31;
	_ =	swait.ge [sflag:s16], $0x2800  }
0x17c: {  	p0 =	sne.s32 s31, s14;
	[sflag:s16] =	ssyncset.done $0x0  }
.Ltmp6:
0x17d: {  	[sflag:s16] =	ssyncadd.s32 $0xFFFFD800;
	(pc) =	sbr.rel @p0 .LBB2_1-.Ltmp6, $4  }
0x17e: {  	[hbm:s13], [sflag:s17] =	dma.local [spmem:s19], $0x50  }
0x17f: {  	_ =	swait.ge [sflag:s16], $0x50  }
0x180: {  	[sflag:s16] =	ssyncset.done $0x0  }
0x181: {  	[sflag:s16] =	ssyncadd.s32 $0xFFFFFFB0  }
0x182: {  	_ =	sfence.sel $0x180000  }
0x183: {  	[bflag:$0x0] =	sbarrier.arrive $0xFFFF  }
0x184: {  	_ =	strace $0x90000047  }
0x185: {  	s0 =	stileid.u32;
	[bflag:$0x2] =	sbarrier.arrive $0xFFFF  }
0x186: {  	p0 =	sne.s32 s0, $0x0;
	s0 =	rddreg [dreg:$0x4]  }
0x187: {  	s0 =	sadd.s32 @!p0 $0x100000, s0  }
0x188: {  	[sflag:s0] =	ssyncadd.tile.s32 @!p0 $0x1;
	_ =	shalt  }
.Lfunc_end2:
_tile_overlayer_lowered:
.L_overlay_start_2:
0x189: {  	(tag) =	ssettag $0x2  }
0x18a: {  	s0 =	rddreg [dreg:$0x0];
	s2 =	stileid.u32  }
0x18b: {  	s1 =	rddreg [dreg:$0x1];
	p0 =	sne.s32 s2, $0x0  }
0x18c: {  	s3 =	rddreg [dreg:$0x2];
	[bflag:$0x3] =	sbarrier.arrive $0xFFFF;
	s2 =	simm.s32 @!p0 $0x1C08  }
0x18d: {  	[timem:s3], [sflag:s2] =	dma.local @!p0 [hbm:s0], s1  }
0x18e: {  	s0 =	simm.s32 @!p0 $0x8  }
0x18f: {  	_ =	swait.ge @!p0 [sflag:s0], s1  }
0x190: {  	s1 =	ssub.s32 @!p0 $0x0, s1;
	[sflag:s0] =	ssyncset.done @!p0 $0x0  }
0x191: {  	[sflag:s0] =	ssyncadd.s32 @!p0 s1  }
0x192: {  	[bflag:$0x3] =	sbarrier.arrive $0xFFFF  }
0x193: {  	_ =	shalt  }

</sc_bundles>
